<compile_context>
chip_gen: v7x
topology: tpu7x:2x2x1
jax: 0.10.2.dev20260603
libtpu: 0.0.44.dev20260713+nightly
codegen_flags: <defaults>
</compile_context>

<pallas_src>
import jax
import jax.numpy as jnp
from jax import lax
from jax.experimental import pallas as pl
from jax.experimental.pallas import tpu as pltpu
from jax.experimental.pallas import tpu_sc as plsc

QSIZE = 1000000
B = 16384
D = 128
NC = 2
NS = 16
L = 16
RNG = 62720
HALF = B // NC
BPW = B // (NC * NS)
CH = 128
NW = BPW // CH
NG = HALF // L
NSB = NG // L


def _sc_body(feat, bf, bi, sel, out,
             selhalf, tslice, idxbuf, matchbuf, flagbuf, idsbuf, cntbuf,
             fr0, fr1, gsem, osem, bsem):
    c = lax.axis_index("c")
    s = lax.axis_index("s")
    wid = c * NS + s
    base = s * RNG
    row0 = wid * BPW
    iota = lax.iota(jnp.int32, L)

    pltpu.sync_copy(sel.at[pl.ds(c * HALF, HALF)], selhalf)

    frows = [fr0, fr1]

    def fire(k):
        return pltpu.async_copy(
            feat.at[selhalf.at[pl.ds(s * BPW + k * CH, CH)]],
            frows[k % 2], gsem)

    def drain(k):
        gcps[k].wait()
        wcp = pltpu.async_copy(frows[k % 2],
                               out.at[pl.ds(row0 + k * CH, CH)], osem)
        wcp.wait()
        if k + 2 < NW:
            gcps.append(fire(k + 2))

    gcps = [fire(0), fire(1)]
    bcp = pltpu.async_copy(bi, idxbuf, bsem)

    neg1 = jnp.full((L,), -1, jnp.int32)

    @plsc.parallel_loop(0, RNG // L, unroll=8)
    def _(i):
        tslice[pl.ds(i * L, L)] = neg1

    bcp.wait()
    drain(0)

    lane0 = iota == 0

    @plsc.parallel_loop(0, B // L, unroll=8)
    def _(g):
        v = idxbuf[pl.ds(g * L, L)]
        j = iota + g * L
        m = (v >= base) & (v < base + RNG)
        plsc.store_scatter(tslice, [v - base], j, mask=m)

    drain(1)

    @plsc.parallel_loop(0, B // L, unroll=8)
    def _(g):
        v = idxbuf[pl.ds(g * L, L)]
        j = iota + g * L
        m = (v >= base) & (v < base + RNG)
        idx = jnp.where(m, v - base, 0)
        t = plsc.load_gather(tslice, [idx])
        badv = jnp.where(m & (t != j), 1, -1)
        plsc.store_scatter(matchbuf, [jnp.full((L,), g, jnp.int32)],
                           jnp.full((L,), jnp.max(badv), jnp.int32),
                           mask=lane0)

    def fix_group(g0):
        v = idxbuf[pl.ds(g0, L)]
        j = iota + g0
        m = (v >= base) & (v < base + RNG)
        idx = jnp.where(m, v - base, 0)
        t = plsc.load_gather(tslice, [idx])
        badv = jnp.where(m & (t != j), 1, -1)

        def lane_fix(r, carry2):
            br = jnp.max(jnp.where(iota == r, badv, -1))

            @pl.when(br >= 0)
            def _():
                vr = jnp.max(jnp.where(iota == r, idx, -1))
                cur = jnp.max(plsc.load_gather(
                    tslice, [jnp.full((L,), vr, jnp.int32)]))
                new = jnp.maximum(cur, g0 + r)
                plsc.store_scatter(tslice, [jnp.full((L,), vr, jnp.int32)],
                                   jnp.full((L,), new, jnp.int32), mask=lane0)

            return carry2

        lax.fori_loop(0, L, lane_fix, 0)

    def fixscan_body(w, carry):
        fv = matchbuf[pl.ds(w * L, L)]

        @pl.when(jnp.max(fv) >= 0)
        def _():
            def lane_body(r, carry2):
                br = jnp.max(jnp.where(iota == r, fv, -1))

                @pl.when(br >= 0)
                def _():
                    fix_group((w * L + r) * L)

                return carry2

            lax.fori_loop(0, L, lane_body, 0)

        return carry

    lax.fori_loop(0, B // L // L, fixscan_body, 0)


    @plsc.parallel_loop(0, NG, unroll=8)
    def _(g):
        v = selhalf[pl.ds(g * L, L)]
        m = (v >= base) & (v < base + RNG)
        idx = jnp.where(m, v - base, 0)
        t = plsc.load_gather(tslice, [idx])
        tm = jnp.where(m & (t >= 0), t, -1)
        matchbuf[pl.ds(g * L, L)] = tm
        plsc.store_scatter(flagbuf, [jnp.full((L,), g, jnp.int32)],
                           jnp.full((L,), jnp.max(tm), jnp.int32), mask=lane0)

    drain(2)

    cntbuf[pl.ds(0, L)] = jnp.zeros((L,), jnp.int32)

    def compact_body(w, carry):
        fv = flagbuf[pl.ds(w * L, L)]

        @pl.when(jnp.max(fv) >= 0)
        def _():
            def lane_body(r, cnt):
                fr = jnp.max(jnp.where(iota == r, fv, -1))
                plsc.store_scatter(idsbuf, [jnp.full((L,), cnt, jnp.int32)],
                                   jnp.full((L,), w * L + r, jnp.int32),
                                   mask=lane0)
                return cnt + jnp.where(fr >= 0, 1, 0).astype(jnp.int32)

            cnt0 = jnp.max(cntbuf[pl.ds(0, L)])
            cnt1 = lax.fori_loop(0, L, lane_body, cnt0)
            cntbuf[pl.ds(0, L)] = jnp.full((L,), cnt1, jnp.int32)

        return carry

    lax.fori_loop(0, NSB, compact_body, 0)

    drain(3)
    plsc.subcore_barrier()

    cnt = jnp.max(cntbuf[pl.ds(0, L)])

    def apply_body(q, carry):
        g0 = jnp.max(plsc.load_gather(idsbuf, [jnp.full((L,), q, jnp.int32)]))
        tm = matchbuf[pl.ds(g0 * L, L)]

        def lane_body(r, carry2):
            tr = jnp.max(jnp.where(iota == r, tm, -1))

            @pl.when(tr >= 0)
            def _():
                pltpu.sync_copy(bf.at[pl.ds(tr, 1)],
                                out.at[pl.ds(c * HALF + g0 * L + r, 1)])

            return carry2

        lax.fori_loop(0, L, lane_body, 0)
        return carry

    lax.fori_loop(0, cnt, apply_body, 0)


@jax.jit
def kernel(features, batch_features, batch_indices, selected_indices):
    bi = batch_indices.astype(jnp.int32)
    si = selected_indices.astype(jnp.int32)
    mesh = plsc.VectorSubcoreMesh(core_axis_name="c", subcore_axis_name="s")
    fn = pl.kernel(
        _sc_body,
        mesh=mesh,
        compiler_params=pltpu.CompilerParams(needs_layout_passes=False),
        out_type=jax.ShapeDtypeStruct((B, D), jnp.float32),
        scratch_types=[
            pltpu.VMEM((HALF,), jnp.int32),
            pltpu.VMEM((RNG,), jnp.int32),
            pltpu.VMEM((B,), jnp.int32),
            pltpu.VMEM((HALF,), jnp.int32),
            pltpu.VMEM((NG,), jnp.int32),
            pltpu.VMEM((NG,), jnp.int32),
            pltpu.VMEM((L,), jnp.int32),
            pltpu.VMEM((CH, D), jnp.float32),
            pltpu.VMEM((CH, D), jnp.float32),
            pltpu.SemaphoreType.DMA,
            pltpu.SemaphoreType.DMA,
            pltpu.SemaphoreType.DMA,
        ],
    )
    return fn(features, batch_features, bi, si)

# --- scband reference (transcript-rebuilt; emitter-appended) ---
"""Pipeline reference for scband-key-memory-87926570483784 (READ-ONLY COPY).

The authoritative reference and input builder live on the scoring server;
editing this copy changes nothing except your own understanding.
"""

import jax, jax.numpy as jnp
import numpy as np
import math

QUEUE_SIZE = 1000000
FEATURE_DIM = 128
BATCH = 16384

def setup_inputs(seed: int = 0) -> dict:
    key = jax.random.key(seed)
    k1, k2, k3, k4 = jax.random.split(key, 4)
    stdv = 1.0 / math.sqrt(FEATURE_DIM / 3)
    # buffer initialized as rand(Q, D) * 2*stdv - stdv
    features = jax.random.uniform(k1, (QUEUE_SIZE, FEATURE_DIM), dtype=jnp.float32, minval=-stdv, maxval=stdv)
    batch_features = jax.random.normal(k2, (BATCH, FEATURE_DIM), dtype=jnp.float32)
    batch_indices = jax.random.randint(k3, (BATCH,), 0, QUEUE_SIZE, dtype=jnp.int64 if jax.config.jax_enable_x64 else jnp.int32)
    selected_indices = jax.random.randint(k4, (BATCH,), 0, QUEUE_SIZE, dtype=jnp.int64 if jax.config.jax_enable_x64 else jnp.int32)
    return {
        "features": features,
        "batch_features": batch_features,
        "batch_indices": batch_indices,
        "selected_indices": selected_indices,
    }

def reference(features, batch_features, batch_indices, selected_indices):
    # store_keys: scatter-overwrite rows of the memory buffer
    updated = features.at[batch_indices].set(batch_features)
    # get_queue: clone + index_select (gather rows)
    selected_features = jnp.take(updated, selected_indices, axis=0)
    return selected_features

if __name__ == "__main__":
    import jax
    _d = setup_inputs()
    print(jax.jit(kernel)(*tuple(_d.values())))

</pallas_src>

<mosaic_0001>
#map = affine_map<(d0, d1) -> (0, 0)>
#map1 = affine_map<(d0, d1) -> (0)>
module attributes {stable_mosaic.version = 14 : i64} {
  func.func @_sc_body(%arg0: i32, %arg1: i32, %arg2: memref<1000000x128xf32, #tpu.memory_space<hbm>>, %arg3: memref<16384x128xf32, #tpu.memory_space<hbm>>, %arg4: memref<16384xi32, #tpu.memory_space<hbm>>, %arg5: memref<16384xi32, #tpu.memory_space<hbm>>, %arg6: memref<16384x128xf32, #tpu.memory_space<hbm>>, %arg7: memref<8192xi32, #tpu.memory_space<vmem>>, %arg8: memref<62720xi32, #tpu.memory_space<vmem>>, %arg9: memref<16384xi32, #tpu.memory_space<vmem>>, %arg10: memref<8192xi32, #tpu.memory_space<vmem>>, %arg11: memref<512xi32, #tpu.memory_space<vmem>>, %arg12: memref<512xi32, #tpu.memory_space<vmem>>, %arg13: memref<16xi32, #tpu.memory_space<vmem>>, %arg14: memref<128x128xf32, #tpu.memory_space<vmem>>, %arg15: memref<128x128xf32, #tpu.memory_space<vmem>>, %arg16: memref<!tpu.dma_semaphore, #tpu.memory_space<semaphore_mem>>, %arg17: memref<!tpu.dma_semaphore, #tpu.memory_space<semaphore_mem>>, %arg18: memref<!tpu.dma_semaphore, #tpu.memory_space<semaphore_mem>>) attributes {dimension_semantics = [#tpu.dimension_semantics<core_parallel>, #tpu.dimension_semantics<subcore_parallel>], iteration_bounds = array<i64: 2, 16>, scalar_prefetch = 0 : i64, scratch_operands = 12 : i64, tpu.core_type = #tpu.core_type<sc_vector_subcore>, window_params = [{transform_indices = #map}, {transform_indices = #map}, {transform_indices = #map1}, {transform_indices = #map1}, {transform_indices = #map}]} {
    %mul3A = arith.constant 16 : i32
    %mul3A_0 = arith.muli %arg0, %mul3A : i32
    %add3A = arith.addi %mul3A_0, %arg1 : i32
    %mul3A_1 = arith.constant 62720 : i32
    %mul3A_2 = arith.muli %arg1, %mul3A_1 : i32
    %mul3A_3 = arith.constant 512 : i32
    %mul3A_4 = arith.muli %add3A, %mul3A_3 : i32
    %iota3A = tpu.iota {dimensions = array<i32: 0>} : vector<16xi32>
    %mul3A_5 = arith.constant 8192 : i32
    %mul3A_6 = arith.muli %arg0, %mul3A_5 : i32
    "tpu.region"() ({
      %run_scoped3A = tpu.sem_alloc : memref<!tpu.dma_semaphore, #tpu.memory_space<semaphore_mem>>
      %dma_start3A_138 = tpu.memref_slice %arg5[%mul3A_6] : memref<16384xi32, #tpu.memory_space<hbm>> -> memref<8192xi32, #tpu.memory_space<hbm>>
      %dma_start3A_139 = tpu.memref_slice %arg5[%mul3A_6] : memref<16384xi32, #tpu.memory_space<hbm>> -> memref<8192xi32, #tpu.memory_space<hbm>>
      tpu.enqueue_dma source(%dma_start3A_139 : memref<8192xi32, #tpu.memory_space<hbm>>) target(%arg7 : memref<8192xi32, #tpu.memory_space<vmem>>) target_semaphore(%run_scoped3A : memref<!tpu.dma_semaphore, #tpu.memory_space<semaphore_mem>>)
      %dma_wait3A_140 = tpu.memref_slice %arg5[%mul3A_6] : memref<16384xi32, #tpu.memory_space<hbm>> -> memref<8192xi32, #tpu.memory_space<hbm>>
      %dma_wait3A_141 = tpu.memref_slice %arg5[%mul3A_6] : memref<16384xi32, #tpu.memory_space<hbm>> -> memref<8192xi32, #tpu.memory_space<hbm>>
      tpu.wait_dma2 semaphore(%run_scoped3A : memref<!tpu.dma_semaphore, #tpu.memory_space<semaphore_mem>>) src(%dma_wait3A_141 : memref<8192xi32, #tpu.memory_space<hbm>>) dst(%arg7 : memref<8192xi32, #tpu.memory_space<vmem>>)
      tpu.yield
    }) : () -> ()
    %mul3A_7 = arith.constant 512 : i32
    %mul3A_8 = arith.muli %arg1, %mul3A_7 : i32
    %add3A_9 = arith.constant 0 : i32
    %add3A_10 = arith.addi %mul3A_8, %add3A_9 : i32
    %dma_start3A = tpu.memref_slice %arg7[%add3A_10] : memref<8192xi32, #tpu.memory_space<vmem>> -> memref<128xi32, #tpu.memory_space<vmem>>
    %dma_start3A_11 = arith.constant 0 : i32
    %dma_start3A_12 = arith.constant 0 : i32
    %dma_start3A_13 = tpu.memref_slice %arg2[%dma_start3A_11, %dma_start3A_12] : memref<1000000x128xf32, #tpu.memory_space<hbm>> -> memref<1000000x128xf32, #tpu.memory_space<hbm>>
    tpu.enqueue_indirect_dma source(%dma_start3A_13 : memref<1000000x128xf32, #tpu.memory_space<hbm>>) target(%arg14 : memref<128x128xf32, #tpu.memory_space<vmem>>) offsets(%dma_start3A : memref<128xi32, #tpu.memory_space<vmem>>) semaphore(%arg16 : memref<!tpu.dma_semaphore, #tpu.memory_space<semaphore_mem>>)
    %mul3A_14 = arith.constant 512 : i32
    %mul3A_15 = arith.muli %arg1, %mul3A_14 : i32
    %add3A_16 = arith.constant 128 : i32
    %add3A_17 = arith.addi %mul3A_15, %add3A_16 : i32
    %dma_start3A_18 = tpu.memref_slice %arg7[%add3A_17] : memref<8192xi32, #tpu.memory_space<vmem>> -> memref<128xi32, #tpu.memory_space<vmem>>
    %dma_start3A_19 = arith.constant 0 : i32
    %dma_start3A_20 = arith.constant 0 : i32
    %dma_start3A_21 = tpu.memref_slice %arg2[%dma_start3A_19, %dma_start3A_20] : memref<1000000x128xf32, #tpu.memory_space<hbm>> -> memref<1000000x128xf32, #tpu.memory_space<hbm>>
    tpu.enqueue_indirect_dma source(%dma_start3A_21 : memref<1000000x128xf32, #tpu.memory_space<hbm>>) target(%arg15 : memref<128x128xf32, #tpu.memory_space<vmem>>) offsets(%dma_start3A_18 : memref<128xi32, #tpu.memory_space<vmem>>) semaphore(%arg16 : memref<!tpu.dma_semaphore, #tpu.memory_space<semaphore_mem>>)
    tpu.enqueue_dma source(%arg4 : memref<16384xi32, #tpu.memory_space<hbm>>) target(%arg9 : memref<16384xi32, #tpu.memory_space<vmem>>) target_semaphore(%arg18 : memref<!tpu.dma_semaphore, #tpu.memory_space<semaphore_mem>>)
    %broadcast_in_dim3A = arith.constant -1 : i32
    %broadcast_in_dim3A_22 = vector.broadcast %broadcast_in_dim3A : i32 to vector<16xi32>
    %parallel_loop3A = arith.constant 0 : i32
    %parallel_loop3A_23 = arith.constant 3920 : i32
    %parallel_loop3A_24 = arith.constant 1 : i32
    scf.for %parallel_loop3A_138 = %parallel_loop3A to %parallel_loop3A_23 step %parallel_loop3A_24  : i32 {
      %parallel_loop3A_139 = arith.constant 16 : i32
      %parallel_loop3A_140 = arith.muli %parallel_loop3A_138, %parallel_loop3A_139 : i32
      %parallel_loop3A_141 = arith.index_cast %parallel_loop3A_140 : i32 to index
      %parallel_loop3A_142 = tpu.vector_load %arg8[%parallel_loop3A_141] {strides = array<i32>} : memref<62720xi32, #tpu.memory_space<vmem>>, vector<16xi32>,
      tpu.vector_store %arg8[%parallel_loop3A_141], %broadcast_in_dim3A_22 {strides = array<i32>} : memref<62720xi32, #tpu.memory_space<vmem>>, vector<16xi32>,
    } {sc.loop_unroll_factor = 8 : i64, sc.parallel_access}
    tpu.wait_dma2 semaphore(%arg18 : memref<!tpu.dma_semaphore, #tpu.memory_space<semaphore_mem>>) src(%arg4 : memref<16384xi32, #tpu.memory_space<hbm>>) dst(%arg9 : memref<16384xi32, #tpu.memory_space<vmem>>)
    %dma_wait3A = tpu.memref_slice %arg7[%add3A_10] : memref<8192xi32, #tpu.memory_space<vmem>> -> memref<128xi32, #tpu.memory_space<vmem>>
    %dma_wait3A_25 = arith.constant 0 : i32
    %dma_wait3A_26 = arith.constant 0 : i32
    %dma_wait3A_27 = tpu.memref_slice %arg2[%dma_wait3A_25, %dma_wait3A_26] : memref<1000000x128xf32, #tpu.memory_space<hbm>> -> memref<1000000x128xf32, #tpu.memory_space<hbm>>
    tpu.wait_indirect_dma semaphore(%arg16 : memref<!tpu.dma_semaphore, #tpu.memory_space<semaphore_mem>>) src(%dma_wait3A_27 : memref<1000000x128xf32, #tpu.memory_space<hbm>>) dst(%arg14 : memref<128x128xf32, #tpu.memory_space<vmem>>)
    %add3A_28 = arith.constant 0 : i32
    %add3A_29 = arith.addi %mul3A_4, %add3A_28 : i32
    %dma_start3A_30 = arith.constant 0 : i32
    %dma_start3A_31 = tpu.memref_slice %arg6[%add3A_29, %dma_start3A_30] : memref<16384x128xf32, #tpu.memory_space<hbm>> -> memref<128x128xf32, #tpu.memory_space<hbm>>
    %dma_start3A_32 = arith.constant 0 : i32
    %dma_start3A_33 = tpu.memref_slice %arg6[%add3A_29, %dma_start3A_32] : memref<16384x128xf32, #tpu.memory_space<hbm>> -> memref<128x128xf32, #tpu.memory_space<hbm>>
    tpu.enqueue_dma source(%arg14 : memref<128x128xf32, #tpu.memory_space<vmem>>) target(%dma_start3A_33 : memref<128x128xf32, #tpu.memory_space<hbm>>) target_semaphore(%arg17 : memref<!tpu.dma_semaphore, #tpu.memory_space<semaphore_mem>>)
    %dma_wait3A_34 = arith.constant 0 : i32
    %dma_wait3A_35 = tpu.memref_slice %arg6[%add3A_29, %dma_wait3A_34] : memref<16384x128xf32, #tpu.memory_space<hbm>> -> memref<128x128xf32, #tpu.memory_space<hbm>>
    %dma_wait3A_36 = arith.constant 0 : i32
    %dma_wait3A_37 = tpu.memref_slice %arg6[%add3A_29, %dma_wait3A_36] : memref<16384x128xf32, #tpu.memory_space<hbm>> -> memref<128x128xf32, #tpu.memory_space<hbm>>
    tpu.wait_dma2 semaphore(%arg17 : memref<!tpu.dma_semaphore, #tpu.memory_space<semaphore_mem>>) src(%arg14 : memref<128x128xf32, #tpu.memory_space<vmem>>) dst(%dma_wait3A_37 : memref<128x128xf32, #tpu.memory_space<hbm>>)
    %mul3A_38 = arith.constant 512 : i32
    %mul3A_39 = arith.muli %arg1, %mul3A_38 : i32
    %add3A_40 = arith.constant 256 : i32
    %add3A_41 = arith.addi %mul3A_39, %add3A_40 : i32
    %dma_start3A_42 = tpu.memref_slice %arg7[%add3A_41] : memref<8192xi32, #tpu.memory_space<vmem>> -> memref<128xi32, #tpu.memory_space<vmem>>
    %dma_start3A_43 = arith.constant 0 : i32
    %dma_start3A_44 = arith.constant 0 : i32
    %dma_start3A_45 = tpu.memref_slice %arg2[%dma_start3A_43, %dma_start3A_44] : memref<1000000x128xf32, #tpu.memory_space<hbm>> -> memref<1000000x128xf32, #tpu.memory_space<hbm>>
    tpu.enqueue_indirect_dma source(%dma_start3A_45 : memref<1000000x128xf32, #tpu.memory_space<hbm>>) target(%arg14 : memref<128x128xf32, #tpu.memory_space<vmem>>) offsets(%dma_start3A_42 : memref<128xi32, #tpu.memory_space<vmem>>) semaphore(%arg16 : memref<!tpu.dma_semaphore, #tpu.memory_space<semaphore_mem>>)
    %eq3A = arith.constant 0 : i32
    %eq3A_46 = vector.broadcast %eq3A : i32 to vector<16xi32>
    %eq3A_47 = arith.cmpi eq, %iota3A, %eq3A_46 : vector<16xi32>
    %parallel_loop3A_48 = arith.constant 0 : i32
    %parallel_loop3A_49 = arith.constant 1024 : i32
    %parallel_loop3A_50 = arith.constant 1 : i32
    scf.for %parallel_loop3A_138 = %parallel_loop3A_48 to %parallel_loop3A_49 step %parallel_loop3A_50  : i32 {
      %parallel_loop3A_139 = arith.constant 16 : i32
      %parallel_loop3A_140 = arith.muli %parallel_loop3A_138, %parallel_loop3A_139 : i32
      %parallel_loop3A_141 = arith.index_cast %parallel_loop3A_140 : i32 to index
      %parallel_loop3A_142 = tpu.vector_load %arg9[%parallel_loop3A_141] {strides = array<i32>} : memref<16384xi32, #tpu.memory_space<vmem>>, vector<16xi32>,
      %parallel_loop3A_143 = arith.constant 16 : i32
      %parallel_loop3A_144 = arith.muli %parallel_loop3A_138, %parallel_loop3A_143 : i32
      %parallel_loop3A_145 = vector.broadcast %parallel_loop3A_144 : i32 to vector<16xi32>
      %parallel_loop3A_146 = arith.addi %iota3A, %parallel_loop3A_145 : vector<16xi32>
      %parallel_loop3A_147 = vector.broadcast %mul3A_2 : i32 to vector<16xi32>
      %parallel_loop3A_148 = arith.cmpi sge, %parallel_loop3A_142, %parallel_loop3A_147 : vector<16xi32>
      %parallel_loop3A_149 = arith.constant 62720 : i32
      %parallel_loop3A_150 = arith.addi %mul3A_2, %parallel_loop3A_149 : i32
      %parallel_loop3A_151 = vector.broadcast %parallel_loop3A_150 : i32 to vector<16xi32>
      %parallel_loop3A_152 = arith.cmpi slt, %parallel_loop3A_142, %parallel_loop3A_151 : vector<16xi32>
      %parallel_loop3A_153 = arith.andi %parallel_loop3A_148, %parallel_loop3A_152 : vector<16xi1>
      %parallel_loop3A_154 = vector.broadcast %mul3A_2 : i32 to vector<16xi32>
      %parallel_loop3A_155 = arith.subi %parallel_loop3A_142, %parallel_loop3A_154 : vector<16xi32>
      tpu.vector_store_idx %arg8[%parallel_loop3A_155], %parallel_loop3A_146 masked %parallel_loop3A_153 : memref<62720xi32, #tpu.memory_space<vmem>>[vector<16xi32>], vector<16xi32>, vector<16xi1>
    } {sc.loop_unroll_factor = 8 : i64, sc.parallel_access}
    %dma_wait3A_51 = tpu.memref_slice %arg7[%add3A_17] : memref<8192xi32, #tpu.memory_space<vmem>> -> memref<128xi32, #tpu.memory_space<vmem>>
    %dma_wait3A_52 = arith.constant 0 : i32
    %dma_wait3A_53 = arith.constant 0 : i32
    %dma_wait3A_54 = tpu.memref_slice %arg2[%dma_wait3A_52, %dma_wait3A_53] : memref<1000000x128xf32, #tpu.memory_space<hbm>> -> memref<1000000x128xf32, #tpu.memory_space<hbm>>
    tpu.wait_indirect_dma semaphore(%arg16 : memref<!tpu.dma_semaphore, #tpu.memory_space<semaphore_mem>>) src(%dma_wait3A_54 : memref<1000000x128xf32, #tpu.memory_space<hbm>>) dst(%arg15 : memref<128x128xf32, #tpu.memory_space<vmem>>)
    %add3A_55 = arith.constant 128 : i32
    %add3A_56 = arith.addi %mul3A_4, %add3A_55 : i32
    %dma_start3A_57 = arith.constant 0 : i32
    %dma_start3A_58 = tpu.memref_slice %arg6[%add3A_56, %dma_start3A_57] : memref<16384x128xf32, #tpu.memory_space<hbm>> -> memref<128x128xf32, #tpu.memory_space<hbm>>
    %dma_start3A_59 = arith.constant 0 : i32
    %dma_start3A_60 = tpu.memref_slice %arg6[%add3A_56, %dma_start3A_59] : memref<16384x128xf32, #tpu.memory_space<hbm>> -> memref<128x128xf32, #tpu.memory_space<hbm>>
    tpu.enqueue_dma source(%arg15 : memref<128x128xf32, #tpu.memory_space<vmem>>) target(%dma_start3A_60 : memref<128x128xf32, #tpu.memory_space<hbm>>) target_semaphore(%arg17 : memref<!tpu.dma_semaphore, #tpu.memory_space<semaphore_mem>>)
    %dma_wait3A_61 = arith.constant 0 : i32
    %dma_wait3A_62 = tpu.memref_slice %arg6[%add3A_56, %dma_wait3A_61] : memref<16384x128xf32, #tpu.memory_space<hbm>> -> memref<128x128xf32, #tpu.memory_space<hbm>>
    %dma_wait3A_63 = arith.constant 0 : i32
    %dma_wait3A_64 = tpu.memref_slice %arg6[%add3A_56, %dma_wait3A_63] : memref<16384x128xf32, #tpu.memory_space<hbm>> -> memref<128x128xf32, #tpu.memory_space<hbm>>
    tpu.wait_dma2 semaphore(%arg17 : memref<!tpu.dma_semaphore, #tpu.memory_space<semaphore_mem>>) src(%arg15 : memref<128x128xf32, #tpu.memory_space<vmem>>) dst(%dma_wait3A_64 : memref<128x128xf32, #tpu.memory_space<hbm>>)
    %mul3A_65 = arith.constant 512 : i32
    %mul3A_66 = arith.muli %arg1, %mul3A_65 : i32
    %add3A_67 = arith.constant 384 : i32
    %add3A_68 = arith.addi %mul3A_66, %add3A_67 : i32
    %dma_start3A_69 = tpu.memref_slice %arg7[%add3A_68] : memref<8192xi32, #tpu.memory_space<vmem>> -> memref<128xi32, #tpu.memory_space<vmem>>
    %dma_start3A_70 = arith.constant 0 : i32
    %dma_start3A_71 = arith.constant 0 : i32
    %dma_start3A_72 = tpu.memref_slice %arg2[%dma_start3A_70, %dma_start3A_71] : memref<1000000x128xf32, #tpu.memory_space<hbm>> -> memref<1000000x128xf32, #tpu.memory_space<hbm>>
    tpu.enqueue_indirect_dma source(%dma_start3A_72 : memref<1000000x128xf32, #tpu.memory_space<hbm>>) target(%arg15 : memref<128x128xf32, #tpu.memory_space<vmem>>) offsets(%dma_start3A_69 : memref<128xi32, #tpu.memory_space<vmem>>) semaphore(%arg16 : memref<!tpu.dma_semaphore, #tpu.memory_space<semaphore_mem>>)
    %parallel_loop3A_73 = arith.constant 0 : i32
    %parallel_loop3A_74 = arith.constant 1024 : i32
    %parallel_loop3A_75 = arith.constant 1 : i32
    scf.for %parallel_loop3A_138 = %parallel_loop3A_73 to %parallel_loop3A_74 step %parallel_loop3A_75  : i32 {
      %parallel_loop3A_139 = arith.constant 16 : i32
      %parallel_loop3A_140 = arith.muli %parallel_loop3A_138, %parallel_loop3A_139 : i32
      %parallel_loop3A_141 = arith.index_cast %parallel_loop3A_140 : i32 to index
      %parallel_loop3A_142 = tpu.vector_load %arg9[%parallel_loop3A_141] {strides = array<i32>} : memref<16384xi32, #tpu.memory_space<vmem>>, vector<16xi32>,
      %parallel_loop3A_143 = arith.constant 16 : i32
      %parallel_loop3A_144 = arith.muli %parallel_loop3A_138, %parallel_loop3A_143 : i32
      %parallel_loop3A_145 = vector.broadcast %parallel_loop3A_144 : i32 to vector<16xi32>
      %parallel_loop3A_146 = arith.addi %iota3A, %parallel_loop3A_145 : vector<16xi32>
      %parallel_loop3A_147 = vector.broadcast %mul3A_2 : i32 to vector<16xi32>
      %parallel_loop3A_148 = arith.cmpi sge, %parallel_loop3A_142, %parallel_loop3A_147 : vector<16xi32>
      %parallel_loop3A_149 = arith.constant 62720 : i32
      %parallel_loop3A_150 = arith.addi %mul3A_2, %parallel_loop3A_149 : i32
      %parallel_loop3A_151 = vector.broadcast %parallel_loop3A_150 : i32 to vector<16xi32>
      %parallel_loop3A_152 = arith.cmpi slt, %parallel_loop3A_142, %parallel_loop3A_151 : vector<16xi32>
      %parallel_loop3A_153 = arith.andi %parallel_loop3A_148, %parallel_loop3A_152 : vector<16xi1>
      %parallel_loop3A_154 = vector.broadcast %mul3A_2 : i32 to vector<16xi32>
      %parallel_loop3A_155 = arith.subi %parallel_loop3A_142, %parallel_loop3A_154 : vector<16xi32>
      %parallel_loop3A_156 = arith.constant 0 : i32
      %parallel_loop3A_157 = vector.broadcast %parallel_loop3A_156 : i32 to vector<16xi32>
      %parallel_loop3A_158 = arith.select %parallel_loop3A_153, %parallel_loop3A_155, %parallel_loop3A_157 : vector<16xi1>, vector<16xi32>
      %parallel_loop3A_159 = tpu.vector_load_idx %arg8[%parallel_loop3A_158] : memref<62720xi32, #tpu.memory_space<vmem>>[vector<16xi32>], vector<16xi32>,
      %parallel_loop3A_160 = arith.cmpi ne, %parallel_loop3A_159, %parallel_loop3A_146 : vector<16xi32>
      %parallel_loop3A_161 = arith.andi %parallel_loop3A_153, %parallel_loop3A_160 : vector<16xi1>
      %parallel_loop3A_162 = arith.constant 1 : i32
      %parallel_loop3A_163 = arith.constant -1 : i32
      %parallel_loop3A_164 = vector.broadcast %parallel_loop3A_162 : i32 to vector<16xi32>
      %parallel_loop3A_165 = vector.broadcast %parallel_loop3A_163 : i32 to vector<16xi32>
      %parallel_loop3A_166 = arith.select %parallel_loop3A_161, %parallel_loop3A_164, %parallel_loop3A_165 : vector<16xi1>, vector<16xi32>
      %parallel_loop3A_167 = vector.broadcast %parallel_loop3A_138 : i32 to vector<16xi32>
      %parallel_loop3A_168 = arith.constant true
      %parallel_loop3A_169 = vector.broadcast %parallel_loop3A_168 : i1 to vector<16xi1>
      %parallel_loop3A_170 = arith.constant -2147483648 : i32
      %parallel_loop3A_171 = vector.broadcast %parallel_loop3A_170 : i32 to vector<16xi32>
      %parallel_loop3A_172 = arith.xori %parallel_loop3A_166, %parallel_loop3A_171 : vector<16xi32>
      %parallel_loop3A_173 = tpu.scan <max>, %parallel_loop3A_172 masked %parallel_loop3A_169 : vector<16xi32>, vector<16xi1> -> vector<16xi32>
      %parallel_loop3A_174 = arith.xori %parallel_loop3A_173, %parallel_loop3A_171 : vector<16xi32>
      %parallel_loop3A_175 = vector.extract %parallel_loop3A_174[15] : i32 from vector<16xi32>
      %parallel_loop3A_176 = vector.broadcast %parallel_loop3A_175 : i32 to vector<16xi32>
      tpu.vector_store_idx %arg10[%parallel_loop3A_167], %parallel_loop3A_176 masked %eq3A_47 : memref<8192xi32, #tpu.memory_space<vmem>>[vector<16xi32>], vector<16xi32>, vector<16xi1>
    } {sc.loop_unroll_factor = 8 : i64, sc.parallel_access}
    %scan3A = arith.constant 0 : i32
    %scan3A_76 = arith.constant 0 : i32
    %scan3A_77 = arith.constant 64 : i32
    %scan3A_78 = arith.addi %scan3A_76, %scan3A_77 : i32
    %scan3A_79 = arith.constant 1 : i32
    scf.for %scan3A_138 = %scan3A_76 to %scan3A_78 step %scan3A_79  : i32 {
      %mul3A_139 = arith.constant 16 : i32
      %mul3A_140 = arith.muli %scan3A_138, %mul3A_139 : i32
      %get3A_141 = arith.index_cast %mul3A_140 : i32 to index
      %get3A_142 = tpu.vector_load %arg10[%get3A_141] {strides = array<i32>} : memref<8192xi32, #tpu.memory_space<vmem>>, vector<16xi32>,
      %reduce_max3A_143 = arith.constant true
      %reduce_max3A_144 = vector.broadcast %reduce_max3A_143 : i1 to vector<16xi1>
      %reduce_max3A_145 = arith.constant -2147483648 : i32
      %reduce_max3A_146 = vector.broadcast %reduce_max3A_145 : i32 to vector<16xi32>
      %reduce_max3A_147 = arith.xori %get3A_142, %reduce_max3A_146 : vector<16xi32>
      %reduce_max3A_148 = tpu.scan <max>, %reduce_max3A_147 masked %reduce_max3A_144 : vector<16xi32>, vector<16xi1> -> vector<16xi32>
      %reduce_max3A_149 = arith.xori %reduce_max3A_148, %reduce_max3A_146 : vector<16xi32>
      %reduce_max3A_150 = vector.extract %reduce_max3A_149[15] : i32 from vector<16xi32>
      %ge3A = arith.constant 0 : i32
      %ge3A_151 = arith.cmpi sge, %reduce_max3A_150, %ge3A : i32
      %convert_element_type3A = arith.extui %ge3A_151 : i1 to i32
      %cond3A = arith.constant 0 : i32
      %cond3A_152 = arith.cmpi ne, %convert_element_type3A, %cond3A : i32
      scf.if %cond3A_152 {
        %scan3A_153 = arith.constant 0 : i32
        %scan3A_154 = arith.constant 0 : i32
        %scan3A_155 = arith.constant 16 : i32
        %scan3A_156 = arith.addi %scan3A_154, %scan3A_155 : i32
        %scan3A_157 = arith.constant 1 : i32
        scf.for %scan3A_159 = %scan3A_154 to %scan3A_156 step %scan3A_157  : i32 {
          %eq3A_160 = vector.broadcast %scan3A_159 : i32 to vector<16xi32>
          %eq3A_161 = arith.cmpi eq, %iota3A, %eq3A_160 : vector<16xi32>
          %jit3A = arith.constant -1 : i32
          %broadcast_in_dim3A_162 = vector.broadcast %jit3A : i32 to vector<16xi32>
          %select_n3A = arith.select %eq3A_161, %get3A_142, %broadcast_in_dim3A_162 : vector<16xi1>, vector<16xi32>
          %reduce_max3A_163 = arith.constant true
          %reduce_max3A_164 = vector.broadcast %reduce_max3A_163 : i1 to vector<16xi1>
          %reduce_max3A_165 = arith.constant -2147483648 : i32
          %reduce_max3A_166 = vector.broadcast %reduce_max3A_165 : i32 to vector<16xi32>
          %reduce_max3A_167 = arith.xori %select_n3A, %reduce_max3A_166 : vector<16xi32>
          %reduce_max3A_168 = tpu.scan <max>, %reduce_max3A_167 masked %reduce_max3A_164 : vector<16xi32>, vector<16xi1> -> vector<16xi32>
          %reduce_max3A_169 = arith.xori %reduce_max3A_168, %reduce_max3A_166 : vector<16xi32>
          %reduce_max3A_170 = vector.extract %reduce_max3A_169[15] : i32 from vector<16xi32>
          %ge3A_171 = arith.constant 0 : i32
          %ge3A_172 = arith.cmpi sge, %reduce_max3A_170, %ge3A_171 : i32
          %convert_element_type3A_173 = arith.extui %ge3A_172 : i1 to i32
          %cond3A_174 = arith.constant 0 : i32
          %cond3A_175 = arith.cmpi ne, %convert_element_type3A_173, %cond3A_174 : i32
          scf.if %cond3A_175 {
            %mul3A_176 = arith.constant 16 : i32
            %mul3A_177 = arith.muli %scan3A_138, %mul3A_176 : i32
            %add3A_178 = arith.addi %mul3A_177, %scan3A_159 : i32
            %mul3A_179 = arith.constant 16 : i32
            %mul3A_180 = arith.muli %add3A_178, %mul3A_179 : i32
            %get3A_181 = arith.index_cast %mul3A_180 : i32 to index
            %get3A_182 = tpu.vector_load %arg9[%get3A_181] {strides = array<i32>} : memref<16384xi32, #tpu.memory_space<vmem>>, vector<16xi32>,
            %add3A_183 = vector.broadcast %mul3A_180 : i32 to vector<16xi32>
            %add3A_184 = arith.addi %iota3A, %add3A_183 : vector<16xi32>
            %ge3A_185 = vector.broadcast %mul3A_2 : i32 to vector<16xi32>
            %ge3A_186 = arith.cmpi sge, %get3A_182, %ge3A_185 : vector<16xi32>
            %add3A_187 = arith.constant 62720 : i32
            %add3A_188 = arith.addi %mul3A_2, %add3A_187 : i32
            %lt3A = vector.broadcast %add3A_188 : i32 to vector<16xi32>
            %lt3A_189 = arith.cmpi slt, %get3A_182, %lt3A : vector<16xi32>
            %and3A = arith.andi %ge3A_186, %lt3A_189 : vector<16xi1>
            %sub3A = vector.broadcast %mul3A_2 : i32 to vector<16xi32>
            %sub3A_190 = arith.subi %get3A_182, %sub3A : vector<16xi32>
            %jit3A_191 = arith.constant 0 : i32
            %broadcast_in_dim3A_192 = vector.broadcast %jit3A_191 : i32 to vector<16xi32>
            %select_n3A_193 = arith.select %and3A, %sub3A_190, %broadcast_in_dim3A_192 : vector<16xi1>, vector<16xi32>
            %gather3A = tpu.vector_load_idx %arg8[%select_n3A_193] : memref<62720xi32, #tpu.memory_space<vmem>>[vector<16xi32>], vector<16xi32>,
            %ne3A = arith.cmpi ne, %gather3A, %add3A_184 : vector<16xi32>
            %and3A_194 = arith.andi %and3A, %ne3A : vector<16xi1>
            %jit3A_195 = arith.constant 1 : i32
            %jit3A_196 = arith.constant -1 : i32
            %broadcast_in_dim3A_197 = vector.broadcast %jit3A_195 : i32 to vector<16xi32>
            %broadcast_in_dim3A_198 = vector.broadcast %jit3A_196 : i32 to vector<16xi32>
            %select_n3A_199 = arith.select %and3A_194, %broadcast_in_dim3A_197, %broadcast_in_dim3A_198 : vector<16xi1>, vector<16xi32>
            %scan3A_200 = arith.constant 0 : i32
            %scan3A_201 = arith.constant 0 : i32
            %scan3A_202 = arith.constant 16 : i32
            %scan3A_203 = arith.addi %scan3A_201, %scan3A_202 : i32
            %scan3A_204 = arith.constant 1 : i32
            scf.for %scan3A_206 = %scan3A_201 to %scan3A_203 step %scan3A_204  : i32 {
              %eq3A_207 = vector.broadcast %scan3A_206 : i32 to vector<16xi32>
              %eq3A_208 = arith.cmpi eq, %iota3A, %eq3A_207 : vector<16xi32>
              %jit3A_209 = arith.constant -1 : i32
              %broadcast_in_dim3A_210 = vector.broadcast %jit3A_209 : i32 to vector<16xi32>
              %select_n3A_211 = arith.select %eq3A_208, %select_n3A_199, %broadcast_in_dim3A_210 : vector<16xi1>, vector<16xi32>
              %reduce_max3A_212 = arith.constant true
              %reduce_max3A_213 = vector.broadcast %reduce_max3A_212 : i1 to vector<16xi1>
              %reduce_max3A_214 = arith.constant -2147483648 : i32
              %reduce_max3A_215 = vector.broadcast %reduce_max3A_214 : i32 to vector<16xi32>
              %reduce_max3A_216 = arith.xori %select_n3A_211, %reduce_max3A_215 : vector<16xi32>
              %reduce_max3A_217 = tpu.scan <max>, %reduce_max3A_216 masked %reduce_max3A_213 : vector<16xi32>, vector<16xi1> -> vector<16xi32>
              %reduce_max3A_218 = arith.xori %reduce_max3A_217, %reduce_max3A_215 : vector<16xi32>
              %reduce_max3A_219 = vector.extract %reduce_max3A_218[15] : i32 from vector<16xi32>
              %ge3A_220 = arith.constant 0 : i32
              %ge3A_221 = arith.cmpi sge, %reduce_max3A_219, %ge3A_220 : i32
              %convert_element_type3A_222 = arith.extui %ge3A_221 : i1 to i32
              %cond3A_223 = arith.constant 0 : i32
              %cond3A_224 = arith.cmpi ne, %convert_element_type3A_222, %cond3A_223 : i32
              scf.if %cond3A_224 {
                %eq3A_225 = vector.broadcast %scan3A_206 : i32 to vector<16xi32>
                %eq3A_226 = arith.cmpi eq, %iota3A, %eq3A_225 : vector<16xi32>
                %jit3A_227 = arith.constant -1 : i32
                %broadcast_in_dim3A_228 = vector.broadcast %jit3A_227 : i32 to vector<16xi32>
                %select_n3A_229 = arith.select %eq3A_226, %select_n3A_193, %broadcast_in_dim3A_228 : vector<16xi1>, vector<16xi32>
                %reduce_max3A_230 = arith.constant true
                %reduce_max3A_231 = vector.broadcast %reduce_max3A_230 : i1 to vector<16xi1>
                %reduce_max3A_232 = arith.constant -2147483648 : i32
                %reduce_max3A_233 = vector.broadcast %reduce_max3A_232 : i32 to vector<16xi32>
                %reduce_max3A_234 = arith.xori %select_n3A_229, %reduce_max3A_233 : vector<16xi32>
                %reduce_max3A_235 = tpu.scan <max>, %reduce_max3A_234 masked %reduce_max3A_231 : vector<16xi32>, vector<16xi1> -> vector<16xi32>
                %reduce_max3A_236 = arith.xori %reduce_max3A_235, %reduce_max3A_233 : vector<16xi32>
                %reduce_max3A_237 = vector.extract %reduce_max3A_236[15] : i32 from vector<16xi32>
                %broadcast_in_dim3A_238 = vector.broadcast %reduce_max3A_237 : i32 to vector<16xi32>
                %gather3A_239 = tpu.vector_load_idx %arg8[%broadcast_in_dim3A_238] : memref<62720xi32, #tpu.memory_space<vmem>>[vector<16xi32>], vector<16xi32>,
                %reduce_max3A_240 = arith.constant true
                %reduce_max3A_241 = vector.broadcast %reduce_max3A_240 : i1 to vector<16xi1>
                %reduce_max3A_242 = arith.constant -2147483648 : i32
                %reduce_max3A_243 = vector.broadcast %reduce_max3A_242 : i32 to vector<16xi32>
                %reduce_max3A_244 = arith.xori %gather3A_239, %reduce_max3A_243 : vector<16xi32>
                %reduce_max3A_245 = tpu.scan <max>, %reduce_max3A_244 masked %reduce_max3A_241 : vector<16xi32>, vector<16xi1> -> vector<16xi32>
                %reduce_max3A_246 = arith.xori %reduce_max3A_245, %reduce_max3A_243 : vector<16xi32>
                %reduce_max3A_247 = vector.extract %reduce_max3A_246[15] : i32 from vector<16xi32>
                %add3A_248 = arith.addi %mul3A_180, %scan3A_206 : i32
                %max3A = arith.maxsi %reduce_max3A_247, %add3A_248 : i32
                %broadcast_in_dim3A_249 = vector.broadcast %reduce_max3A_237 : i32 to vector<16xi32>
                %broadcast_in_dim3A_250 = vector.broadcast %max3A : i32 to vector<16xi32>
                tpu.vector_store_idx %arg8[%broadcast_in_dim3A_249], %broadcast_in_dim3A_250 masked %eq3A_47 : memref<62720xi32, #tpu.memory_space<vmem>>[vector<16xi32>], vector<16xi32>, vector<16xi1>
              } else {
              }
            }
            %scan3A_205 = arith.constant 16 : i32
          } else {
          }
        }
        %scan3A_158 = arith.constant 16 : i32
      } else {
      }
    }
    %scan3A_80 = arith.constant 64 : i32
    %parallel_loop3A_81 = arith.constant 0 : i32
    %parallel_loop3A_82 = arith.constant 512 : i32
    %parallel_loop3A_83 = arith.constant 1 : i32
    scf.for %parallel_loop3A_138 = %parallel_loop3A_81 to %parallel_loop3A_82 step %parallel_loop3A_83  : i32 {
      %parallel_loop3A_139 = arith.constant 16 : i32
      %parallel_loop3A_140 = arith.muli %parallel_loop3A_138, %parallel_loop3A_139 : i32
      %parallel_loop3A_141 = arith.index_cast %parallel_loop3A_140 : i32 to index
      %parallel_loop3A_142 = tpu.vector_load %arg7[%parallel_loop3A_141] {strides = array<i32>} : memref<8192xi32, #tpu.memory_space<vmem>>, vector<16xi32>,
      %parallel_loop3A_143 = vector.broadcast %mul3A_2 : i32 to vector<16xi32>
      %parallel_loop3A_144 = arith.cmpi sge, %parallel_loop3A_142, %parallel_loop3A_143 : vector<16xi32>
      %parallel_loop3A_145 = arith.constant 62720 : i32
      %parallel_loop3A_146 = arith.addi %mul3A_2, %parallel_loop3A_145 : i32
      %parallel_loop3A_147 = vector.broadcast %parallel_loop3A_146 : i32 to vector<16xi32>
      %parallel_loop3A_148 = arith.cmpi slt, %parallel_loop3A_142, %parallel_loop3A_147 : vector<16xi32>
      %parallel_loop3A_149 = arith.andi %parallel_loop3A_144, %parallel_loop3A_148 : vector<16xi1>
      %parallel_loop3A_150 = vector.broadcast %mul3A_2 : i32 to vector<16xi32>
      %parallel_loop3A_151 = arith.subi %parallel_loop3A_142, %parallel_loop3A_150 : vector<16xi32>
      %parallel_loop3A_152 = arith.constant 0 : i32
      %parallel_loop3A_153 = vector.broadcast %parallel_loop3A_152 : i32 to vector<16xi32>
      %parallel_loop3A_154 = arith.select %parallel_loop3A_149, %parallel_loop3A_151, %parallel_loop3A_153 : vector<16xi1>, vector<16xi32>
      %parallel_loop3A_155 = tpu.vector_load_idx %arg8[%parallel_loop3A_154] : memref<62720xi32, #tpu.memory_space<vmem>>[vector<16xi32>], vector<16xi32>,
      %parallel_loop3A_156 = arith.constant 0 : i32
      %parallel_loop3A_157 = vector.broadcast %parallel_loop3A_156 : i32 to vector<16xi32>
      %parallel_loop3A_158 = arith.cmpi sge, %parallel_loop3A_155, %parallel_loop3A_157 : vector<16xi32>
      %parallel_loop3A_159 = arith.andi %parallel_loop3A_149, %parallel_loop3A_158 : vector<16xi1>
      %parallel_loop3A_160 = arith.constant -1 : i32
      %parallel_loop3A_161 = vector.broadcast %parallel_loop3A_160 : i32 to vector<16xi32>
      %parallel_loop3A_162 = arith.select %parallel_loop3A_159, %parallel_loop3A_155, %parallel_loop3A_161 : vector<16xi1>, vector<16xi32>
      %parallel_loop3A_163 = arith.constant 16 : i32
      %parallel_loop3A_164 = arith.muli %parallel_loop3A_138, %parallel_loop3A_163 : i32
      %parallel_loop3A_165 = arith.index_cast %parallel_loop3A_164 : i32 to index
      %parallel_loop3A_166 = tpu.vector_load %arg10[%parallel_loop3A_165] {strides = array<i32>} : memref<8192xi32, #tpu.memory_space<vmem>>, vector<16xi32>,
      tpu.vector_store %arg10[%parallel_loop3A_165], %parallel_loop3A_162 {strides = array<i32>} : memref<8192xi32, #tpu.memory_space<vmem>>, vector<16xi32>,
      %parallel_loop3A_167 = vector.broadcast %parallel_loop3A_138 : i32 to vector<16xi32>
      %parallel_loop3A_168 = arith.constant true
      %parallel_loop3A_169 = vector.broadcast %parallel_loop3A_168 : i1 to vector<16xi1>
      %parallel_loop3A_170 = arith.constant -2147483648 : i32
      %parallel_loop3A_171 = vector.broadcast %parallel_loop3A_170 : i32 to vector<16xi32>
      %parallel_loop3A_172 = arith.xori %parallel_loop3A_162, %parallel_loop3A_171 : vector<16xi32>
      %parallel_loop3A_173 = tpu.scan <max>, %parallel_loop3A_172 masked %parallel_loop3A_169 : vector<16xi32>, vector<16xi1> -> vector<16xi32>
      %parallel_loop3A_174 = arith.xori %parallel_loop3A_173, %parallel_loop3A_171 : vector<16xi32>
      %parallel_loop3A_175 = vector.extract %parallel_loop3A_174[15] : i32 from vector<16xi32>
      %parallel_loop3A_176 = vector.broadcast %parallel_loop3A_175 : i32 to vector<16xi32>
      tpu.vector_store_idx %arg11[%parallel_loop3A_167], %parallel_loop3A_176 masked %eq3A_47 : memref<512xi32, #tpu.memory_space<vmem>>[vector<16xi32>], vector<16xi32>, vector<16xi1>
    } {sc.loop_unroll_factor = 8 : i64, sc.parallel_access}
    %dma_wait3A_84 = tpu.memref_slice %arg7[%add3A_41] : memref<8192xi32, #tpu.memory_space<vmem>> -> memref<128xi32, #tpu.memory_space<vmem>>
    %dma_wait3A_85 = arith.constant 0 : i32
    %dma_wait3A_86 = arith.constant 0 : i32
    %dma_wait3A_87 = tpu.memref_slice %arg2[%dma_wait3A_85, %dma_wait3A_86] : memref<1000000x128xf32, #tpu.memory_space<hbm>> -> memref<1000000x128xf32, #tpu.memory_space<hbm>>
    tpu.wait_indirect_dma semaphore(%arg16 : memref<!tpu.dma_semaphore, #tpu.memory_space<semaphore_mem>>) src(%dma_wait3A_87 : memref<1000000x128xf32, #tpu.memory_space<hbm>>) dst(%arg14 : memref<128x128xf32, #tpu.memory_space<vmem>>)
    %add3A_88 = arith.constant 256 : i32
    %add3A_89 = arith.addi %mul3A_4, %add3A_88 : i32
    %dma_start3A_90 = arith.constant 0 : i32
    %dma_start3A_91 = tpu.memref_slice %arg6[%add3A_89, %dma_start3A_90] : memref<16384x128xf32, #tpu.memory_space<hbm>> -> memref<128x128xf32, #tpu.memory_space<hbm>>
    %dma_start3A_92 = arith.constant 0 : i32
    %dma_start3A_93 = tpu.memref_slice %arg6[%add3A_89, %dma_start3A_92] : memref<16384x128xf32, #tpu.memory_space<hbm>> -> memref<128x128xf32, #tpu.memory_space<hbm>>
    tpu.enqueue_dma source(%arg14 : memref<128x128xf32, #tpu.memory_space<vmem>>) target(%dma_start3A_93 : memref<128x128xf32, #tpu.memory_space<hbm>>) target_semaphore(%arg17 : memref<!tpu.dma_semaphore, #tpu.memory_space<semaphore_mem>>)
    %dma_wait3A_94 = arith.constant 0 : i32
    %dma_wait3A_95 = tpu.memref_slice %arg6[%add3A_89, %dma_wait3A_94] : memref<16384x128xf32, #tpu.memory_space<hbm>> -> memref<128x128xf32, #tpu.memory_space<hbm>>
    %dma_wait3A_96 = arith.constant 0 : i32
    %dma_wait3A_97 = tpu.memref_slice %arg6[%add3A_89, %dma_wait3A_96] : memref<16384x128xf32, #tpu.memory_space<hbm>> -> memref<128x128xf32, #tpu.memory_space<hbm>>
    tpu.wait_dma2 semaphore(%arg17 : memref<!tpu.dma_semaphore, #tpu.memory_space<semaphore_mem>>) src(%arg14 : memref<128x128xf32, #tpu.memory_space<vmem>>) dst(%dma_wait3A_97 : memref<128x128xf32, #tpu.memory_space<hbm>>)
    %broadcast_in_dim3A_98 = arith.constant 0 : i32
    %broadcast_in_dim3A_99 = vector.broadcast %broadcast_in_dim3A_98 : i32 to vector<16xi32>
    %swap3A = arith.constant 0 : index
    %swap3A_100 = tpu.vector_load %arg13[%swap3A] {strides = array<i32>} : memref<16xi32, #tpu.memory_space<vmem>>, vector<16xi32>,
    tpu.vector_store %arg13[%swap3A], %broadcast_in_dim3A_99 {strides = array<i32>} : memref<16xi32, #tpu.memory_space<vmem>>, vector<16xi32>,
    %scan3A_101 = arith.constant 0 : i32
    %scan3A_102 = arith.constant 0 : i32
    %scan3A_103 = arith.constant 32 : i32
    %scan3A_104 = arith.addi %scan3A_102, %scan3A_103 : i32
    %scan3A_105 = arith.constant 1 : i32
    scf.for %scan3A_138 = %scan3A_102 to %scan3A_104 step %scan3A_105  : i32 {
      %mul3A_139 = arith.constant 16 : i32
      %mul3A_140 = arith.muli %scan3A_138, %mul3A_139 : i32
      %get3A_141 = arith.index_cast %mul3A_140 : i32 to index
      %get3A_142 = tpu.vector_load %arg11[%get3A_141] {strides = array<i32>} : memref<512xi32, #tpu.memory_space<vmem>>, vector<16xi32>,
      %reduce_max3A_143 = arith.constant true
      %reduce_max3A_144 = vector.broadcast %reduce_max3A_143 : i1 to vector<16xi1>
      %reduce_max3A_145 = arith.constant -2147483648 : i32
      %reduce_max3A_146 = vector.broadcast %reduce_max3A_145 : i32 to vector<16xi32>
      %reduce_max3A_147 = arith.xori %get3A_142, %reduce_max3A_146 : vector<16xi32>
      %reduce_max3A_148 = tpu.scan <max>, %reduce_max3A_147 masked %reduce_max3A_144 : vector<16xi32>, vector<16xi1> -> vector<16xi32>
      %reduce_max3A_149 = arith.xori %reduce_max3A_148, %reduce_max3A_146 : vector<16xi32>
      %reduce_max3A_150 = vector.extract %reduce_max3A_149[15] : i32 from vector<16xi32>
      %ge3A = arith.constant 0 : i32
      %ge3A_151 = arith.cmpi sge, %reduce_max3A_150, %ge3A : i32
      %convert_element_type3A = arith.extui %ge3A_151 : i1 to i32
      %cond3A = arith.constant 0 : i32
      %cond3A_152 = arith.cmpi ne, %convert_element_type3A, %cond3A : i32
      scf.if %cond3A_152 {
        %get3A_153 = arith.constant 0 : index
        %get3A_154 = tpu.vector_load %arg13[%get3A_153] {strides = array<i32>} : memref<16xi32, #tpu.memory_space<vmem>>, vector<16xi32>,
        %reduce_max3A_155 = arith.constant true
        %reduce_max3A_156 = vector.broadcast %reduce_max3A_155 : i1 to vector<16xi1>
        %reduce_max3A_157 = arith.constant -2147483648 : i32
        %reduce_max3A_158 = vector.broadcast %reduce_max3A_157 : i32 to vector<16xi32>
        %reduce_max3A_159 = arith.xori %get3A_154, %reduce_max3A_158 : vector<16xi32>
        %reduce_max3A_160 = tpu.scan <max>, %reduce_max3A_159 masked %reduce_max3A_156 : vector<16xi32>, vector<16xi1> -> vector<16xi32>
        %reduce_max3A_161 = arith.xori %reduce_max3A_160, %reduce_max3A_158 : vector<16xi32>
        %reduce_max3A_162 = vector.extract %reduce_max3A_161[15] : i32 from vector<16xi32>
        %scan3A_163 = arith.constant 0 : i32
        %scan3A_164 = arith.constant 16 : i32
        %scan3A_165 = arith.addi %scan3A_163, %scan3A_164 : i32
        %scan3A_166 = arith.constant 1 : i32
        %scan3A_167 = scf.for %scan3A_172 = %scan3A_163 to %scan3A_165 step %scan3A_166 iter_args(%scan3A_173 = %reduce_max3A_162) -> (i32)  : i32 {
          %eq3A_174 = vector.broadcast %scan3A_172 : i32 to vector<16xi32>
          %eq3A_175 = arith.cmpi eq, %iota3A, %eq3A_174 : vector<16xi32>
          %jit3A = arith.constant -1 : i32
          %broadcast_in_dim3A_176 = vector.broadcast %jit3A : i32 to vector<16xi32>
          %select_n3A = arith.select %eq3A_175, %get3A_142, %broadcast_in_dim3A_176 : vector<16xi1>, vector<16xi32>
          %reduce_max3A_177 = arith.constant true
          %reduce_max3A_178 = vector.broadcast %reduce_max3A_177 : i1 to vector<16xi1>
          %reduce_max3A_179 = arith.constant -2147483648 : i32
          %reduce_max3A_180 = vector.broadcast %reduce_max3A_179 : i32 to vector<16xi32>
          %reduce_max3A_181 = arith.xori %select_n3A, %reduce_max3A_180 : vector<16xi32>
          %reduce_max3A_182 = tpu.scan <max>, %reduce_max3A_181 masked %reduce_max3A_178 : vector<16xi32>, vector<16xi1> -> vector<16xi32>
          %reduce_max3A_183 = arith.xori %reduce_max3A_182, %reduce_max3A_180 : vector<16xi32>
          %reduce_max3A_184 = vector.extract %reduce_max3A_183[15] : i32 from vector<16xi32>
          %broadcast_in_dim3A_185 = vector.broadcast %scan3A_173 : i32 to vector<16xi32>
          %mul3A_186 = arith.constant 16 : i32
          %mul3A_187 = arith.muli %scan3A_138, %mul3A_186 : i32
          %add3A_188 = arith.addi %mul3A_187, %scan3A_172 : i32
          %broadcast_in_dim3A_189 = vector.broadcast %add3A_188 : i32 to vector<16xi32>
          tpu.vector_store_idx %arg12[%broadcast_in_dim3A_185], %broadcast_in_dim3A_189 masked %eq3A_47 : memref<512xi32, #tpu.memory_space<vmem>>[vector<16xi32>], vector<16xi32>, vector<16xi1>
          %ge3A_190 = arith.constant 0 : i32
          %ge3A_191 = arith.cmpi sge, %reduce_max3A_184, %ge3A_190 : i32
          %jit3A_192 = arith.constant 1 : i32
          %jit3A_193 = arith.constant 0 : i32
          %select_n3A_194 = arith.select %ge3A_191, %jit3A_192, %jit3A_193 : i32
          %add3A_195 = arith.addi %scan3A_173, %select_n3A_194 : i32
          scf.yield %add3A_195 : i32
        }
        %scan3A_168 = arith.constant 16 : i32
        %broadcast_in_dim3A_169 = vector.broadcast %scan3A_167 : i32 to vector<16xi32>
        %swap3A_170 = arith.constant 0 : index
        %swap3A_171 = tpu.vector_load %arg13[%swap3A_170] {strides = array<i32>} : memref<16xi32, #tpu.memory_space<vmem>>, vector<16xi32>,
        tpu.vector_store %arg13[%swap3A_170], %broadcast_in_dim3A_169 {strides = array<i32>} : memref<16xi32, #tpu.memory_space<vmem>>, vector<16xi32>,
      } else {
      }
    }
    %scan3A_106 = arith.constant 32 : i32
    %dma_wait3A_107 = tpu.memref_slice %arg7[%add3A_68] : memref<8192xi32, #tpu.memory_space<vmem>> -> memref<128xi32, #tpu.memory_space<vmem>>
    %dma_wait3A_108 = arith.constant 0 : i32
    %dma_wait3A_109 = arith.constant 0 : i32
    %dma_wait3A_110 = tpu.memref_slice %arg2[%dma_wait3A_108, %dma_wait3A_109] : memref<1000000x128xf32, #tpu.memory_space<hbm>> -> memref<1000000x128xf32, #tpu.memory_space<hbm>>
    tpu.wait_indirect_dma semaphore(%arg16 : memref<!tpu.dma_semaphore, #tpu.memory_space<semaphore_mem>>) src(%dma_wait3A_110 : memref<1000000x128xf32, #tpu.memory_space<hbm>>) dst(%arg15 : memref<128x128xf32, #tpu.memory_space<vmem>>)
    %add3A_111 = arith.constant 384 : i32
    %add3A_112 = arith.addi %mul3A_4, %add3A_111 : i32
    %dma_start3A_113 = arith.constant 0 : i32
    %dma_start3A_114 = tpu.memref_slice %arg6[%add3A_112, %dma_start3A_113] : memref<16384x128xf32, #tpu.memory_space<hbm>> -> memref<128x128xf32, #tpu.memory_space<hbm>>
    %dma_start3A_115 = arith.constant 0 : i32
    %dma_start3A_116 = tpu.memref_slice %arg6[%add3A_112, %dma_start3A_115] : memref<16384x128xf32, #tpu.memory_space<hbm>> -> memref<128x128xf32, #tpu.memory_space<hbm>>
    tpu.enqueue_dma source(%arg15 : memref<128x128xf32, #tpu.memory_space<vmem>>) target(%dma_start3A_116 : memref<128x128xf32, #tpu.memory_space<hbm>>) target_semaphore(%arg17 : memref<!tpu.dma_semaphore, #tpu.memory_space<semaphore_mem>>)
    %dma_wait3A_117 = arith.constant 0 : i32
    %dma_wait3A_118 = tpu.memref_slice %arg6[%add3A_112, %dma_wait3A_117] : memref<16384x128xf32, #tpu.memory_space<hbm>> -> memref<128x128xf32, #tpu.memory_space<hbm>>
    %dma_wait3A_119 = arith.constant 0 : i32
    %dma_wait3A_120 = tpu.memref_slice %arg6[%add3A_112, %dma_wait3A_119] : memref<16384x128xf32, #tpu.memory_space<hbm>> -> memref<128x128xf32, #tpu.memory_space<hbm>>
    tpu.wait_dma2 semaphore(%arg17 : memref<!tpu.dma_semaphore, #tpu.memory_space<semaphore_mem>>) src(%arg15 : memref<128x128xf32, #tpu.memory_space<vmem>>) dst(%dma_wait3A_120 : memref<128x128xf32, #tpu.memory_space<hbm>>)
    %barrier3A = arith.constant 0 : index
    tpu.barrier barrier_id(%barrier3A)
    %get3A = arith.constant 0 : index
    %get3A_121 = tpu.vector_load %arg13[%get3A] {strides = array<i32>} : memref<16xi32, #tpu.memory_space<vmem>>, vector<16xi32>,
    %reduce_max3A = arith.constant true
    %reduce_max3A_122 = vector.broadcast %reduce_max3A : i1 to vector<16xi1>
    %reduce_max3A_123 = arith.constant -2147483648 : i32
    %reduce_max3A_124 = vector.broadcast %reduce_max3A_123 : i32 to vector<16xi32>
    %reduce_max3A_125 = arith.xori %get3A_121, %reduce_max3A_124 : vector<16xi32>
    %reduce_max3A_126 = tpu.scan <max>, %reduce_max3A_125 masked %reduce_max3A_122 : vector<16xi32>, vector<16xi1> -> vector<16xi32>
    %reduce_max3A_127 = arith.xori %reduce_max3A_126, %reduce_max3A_124 : vector<16xi32>
    %reduce_max3A_128 = vector.extract %reduce_max3A_127[15] : i32 from vector<16xi32>
    %while3A = arith.constant 0 : i32
    %while3A_129 = arith.constant 0 : i32
    %while3A_130 = arith.subi %reduce_max3A_128, %while3A_129 : i32
    %while3A_131 = arith.addi %while3A_129, %while3A_130 : i32
    %while3A_132 = arith.constant 1 : i32
    %while3A_133 = arith.divsi %while3A_130, %while3A_132 : i32
    %while3A_134 = arith.muli %while3A_133, %while3A_132 : i32
    %while3A_135 = arith.addi %while3A_129, %while3A_134 : i32
    %while3A_136 = arith.constant 1 : i32
    scf.for %while3A_138 = %while3A_129 to %while3A_135 step %while3A_136  : i32 {
      %broadcast_in_dim3A_139 = vector.broadcast %while3A_138 : i32 to vector<16xi32>
      %gather3A = tpu.vector_load_idx %arg12[%broadcast_in_dim3A_139] : memref<512xi32, #tpu.memory_space<vmem>>[vector<16xi32>], vector<16xi32>,
      %reduce_max3A_140 = arith.constant true
      %reduce_max3A_141 = vector.broadcast %reduce_max3A_140 : i1 to vector<16xi1>
      %reduce_max3A_142 = arith.constant -2147483648 : i32
      %reduce_max3A_143 = vector.broadcast %reduce_max3A_142 : i32 to vector<16xi32>
      %reduce_max3A_144 = arith.xori %gather3A, %reduce_max3A_143 : vector<16xi32>
      %reduce_max3A_145 = tpu.scan <max>, %reduce_max3A_144 masked %reduce_max3A_141 : vector<16xi32>, vector<16xi1> -> vector<16xi32>
      %reduce_max3A_146 = arith.xori %reduce_max3A_145, %reduce_max3A_143 : vector<16xi32>
      %reduce_max3A_147 = vector.extract %reduce_max3A_146[15] : i32 from vector<16xi32>
      %mul3A_148 = arith.constant 16 : i32
      %mul3A_149 = arith.muli %reduce_max3A_147, %mul3A_148 : i32
      %get3A_150 = arith.index_cast %mul3A_149 : i32 to index
      %get3A_151 = tpu.vector_load %arg10[%get3A_150] {strides = array<i32>} : memref<8192xi32, #tpu.memory_space<vmem>>, vector<16xi32>,
      %scan3A_152 = arith.constant 0 : i32
      %scan3A_153 = arith.constant 0 : i32
      %scan3A_154 = arith.constant 16 : i32
      %scan3A_155 = arith.addi %scan3A_153, %scan3A_154 : i32
      %scan3A_156 = arith.constant 1 : i32
      scf.for %scan3A_158 = %scan3A_153 to %scan3A_155 step %scan3A_156  : i32 {
        %eq3A_159 = vector.broadcast %scan3A_158 : i32 to vector<16xi32>
        %eq3A_160 = arith.cmpi eq, %iota3A, %eq3A_159 : vector<16xi32>
        %jit3A = arith.constant -1 : i32
        %broadcast_in_dim3A_161 = vector.broadcast %jit3A : i32 to vector<16xi32>
        %select_n3A = arith.select %eq3A_160, %get3A_151, %broadcast_in_dim3A_161 : vector<16xi1>, vector<16xi32>
        %reduce_max3A_162 = arith.constant true
        %reduce_max3A_163 = vector.broadcast %reduce_max3A_162 : i1 to vector<16xi1>
        %reduce_max3A_164 = arith.constant -2147483648 : i32
        %reduce_max3A_165 = vector.broadcast %reduce_max3A_164 : i32 to vector<16xi32>
        %reduce_max3A_166 = arith.xori %select_n3A, %reduce_max3A_165 : vector<16xi32>
        %reduce_max3A_167 = tpu.scan <max>, %reduce_max3A_166 masked %reduce_max3A_163 : vector<16xi32>, vector<16xi1> -> vector<16xi32>
        %reduce_max3A_168 = arith.xori %reduce_max3A_167, %reduce_max3A_165 : vector<16xi32>
        %reduce_max3A_169 = vector.extract %reduce_max3A_168[15] : i32 from vector<16xi32>
        %ge3A = arith.constant 0 : i32
        %ge3A_170 = arith.cmpi sge, %reduce_max3A_169, %ge3A : i32
        %convert_element_type3A = arith.extui %ge3A_170 : i1 to i32
        %cond3A = arith.constant 0 : i32
        %cond3A_171 = arith.cmpi ne, %convert_element_type3A, %cond3A : i32
        scf.if %cond3A_171 {
          %mul3A_172 = arith.constant 8192 : i32
          %mul3A_173 = arith.muli %arg0, %mul3A_172 : i32
          %mul3A_174 = arith.constant 16 : i32
          %mul3A_175 = arith.muli %reduce_max3A_147, %mul3A_174 : i32
          %add3A_176 = arith.addi %mul3A_173, %mul3A_175 : i32
          %add3A_177 = arith.addi %add3A_176, %scan3A_158 : i32
          "tpu.region"() ({
            %run_scoped3A = tpu.sem_alloc : memref<!tpu.dma_semaphore, #tpu.memory_space<semaphore_mem>>
            %dma_start3A_178 = arith.constant 0 : i32
            %dma_start3A_179 = tpu.memref_slice %arg6[%add3A_177, %dma_start3A_178] : memref<16384x128xf32, #tpu.memory_space<hbm>> -> memref<1x128xf32, #tpu.memory_space<hbm>>
            %dma_start3A_180 = arith.constant 0 : i32
            %dma_start3A_181 = tpu.memref_slice %arg3[%reduce_max3A_169, %dma_start3A_180] : memref<16384x128xf32, #tpu.memory_space<hbm>> -> memref<1x128xf32, #tpu.memory_space<hbm>>
            tpu.enqueue_dma source(%dma_start3A_181 : memref<1x128xf32, #tpu.memory_space<hbm>>) target(%dma_start3A_179 : memref<1x128xf32, #tpu.memory_space<hbm>>) target_semaphore(%run_scoped3A : memref<!tpu.dma_semaphore, #tpu.memory_space<semaphore_mem>>)
            %dma_wait3A_182 = arith.constant 0 : i32
            %dma_wait3A_183 = tpu.memref_slice %arg6[%add3A_177, %dma_wait3A_182] : memref<16384x128xf32, #tpu.memory_space<hbm>> -> memref<1x128xf32, #tpu.memory_space<hbm>>
            %dma_wait3A_184 = arith.constant 0 : i32
            %dma_wait3A_185 = tpu.memref_slice %arg3[%reduce_max3A_169, %dma_wait3A_184] : memref<16384x128xf32, #tpu.memory_space<hbm>> -> memref<1x128xf32, #tpu.memory_space<hbm>>
            tpu.wait_dma2 semaphore(%run_scoped3A : memref<!tpu.dma_semaphore, #tpu.memory_space<semaphore_mem>>) src(%dma_wait3A_185 : memref<1x128xf32, #tpu.memory_space<hbm>>) dst(%dma_wait3A_183 : memref<1x128xf32, #tpu.memory_space<hbm>>)
            tpu.yield
          }) : () -> ()
        } else {
        }
      }
      %scan3A_157 = arith.constant 16 : i32
    }
    %while3A_137 = arith.constant 1 : i32
    scf.for %while3A_138 = %while3A_135 to %while3A_131 step %while3A_137  : i32 {
      %broadcast_in_dim3A_139 = vector.broadcast %while3A_138 : i32 to vector<16xi32>
      %gather3A = tpu.vector_load_idx %arg12[%broadcast_in_dim3A_139] : memref<512xi32, #tpu.memory_space<vmem>>[vector<16xi32>], vector<16xi32>,
      %reduce_max3A_140 = arith.constant true
      %reduce_max3A_141 = vector.broadcast %reduce_max3A_140 : i1 to vector<16xi1>
      %reduce_max3A_142 = arith.constant -2147483648 : i32
      %reduce_max3A_143 = vector.broadcast %reduce_max3A_142 : i32 to vector<16xi32>
      %reduce_max3A_144 = arith.xori %gather3A, %reduce_max3A_143 : vector<16xi32>
      %reduce_max3A_145 = tpu.scan <max>, %reduce_max3A_144 masked %reduce_max3A_141 : vector<16xi32>, vector<16xi1> -> vector<16xi32>
      %reduce_max3A_146 = arith.xori %reduce_max3A_145, %reduce_max3A_143 : vector<16xi32>
      %reduce_max3A_147 = vector.extract %reduce_max3A_146[15] : i32 from vector<16xi32>
      %mul3A_148 = arith.constant 16 : i32
      %mul3A_149 = arith.muli %reduce_max3A_147, %mul3A_148 : i32
      %get3A_150 = arith.index_cast %mul3A_149 : i32 to index
      %get3A_151 = tpu.vector_load %arg10[%get3A_150] {strides = array<i32>} : memref<8192xi32, #tpu.memory_space<vmem>>, vector<16xi32>,
      %scan3A_152 = arith.constant 0 : i32
      %scan3A_153 = arith.constant 0 : i32
      %scan3A_154 = arith.constant 16 : i32
      %scan3A_155 = arith.addi %scan3A_153, %scan3A_154 : i32
      %scan3A_156 = arith.constant 1 : i32
      scf.for %scan3A_158 = %scan3A_153 to %scan3A_155 step %scan3A_156  : i32 {
        %eq3A_159 = vector.broadcast %scan3A_158 : i32 to vector<16xi32>
        %eq3A_160 = arith.cmpi eq, %iota3A, %eq3A_159 : vector<16xi32>
        %jit3A = arith.constant -1 : i32
        %broadcast_in_dim3A_161 = vector.broadcast %jit3A : i32 to vector<16xi32>
        %select_n3A = arith.select %eq3A_160, %get3A_151, %broadcast_in_dim3A_161 : vector<16xi1>, vector<16xi32>
        %reduce_max3A_162 = arith.constant true
        %reduce_max3A_163 = vector.broadcast %reduce_max3A_162 : i1 to vector<16xi1>
        %reduce_max3A_164 = arith.constant -2147483648 : i32
        %reduce_max3A_165 = vector.broadcast %reduce_max3A_164 : i32 to vector<16xi32>
        %reduce_max3A_166 = arith.xori %select_n3A, %reduce_max3A_165 : vector<16xi32>
        %reduce_max3A_167 = tpu.scan <max>, %reduce_max3A_166 masked %reduce_max3A_163 : vector<16xi32>, vector<16xi1> -> vector<16xi32>
        %reduce_max3A_168 = arith.xori %reduce_max3A_167, %reduce_max3A_165 : vector<16xi32>
        %reduce_max3A_169 = vector.extract %reduce_max3A_168[15] : i32 from vector<16xi32>
        %ge3A = arith.constant 0 : i32
        %ge3A_170 = arith.cmpi sge, %reduce_max3A_169, %ge3A : i32
        %convert_element_type3A = arith.extui %ge3A_170 : i1 to i32
        %cond3A = arith.constant 0 : i32
        %cond3A_171 = arith.cmpi ne, %convert_element_type3A, %cond3A : i32
        scf.if %cond3A_171 {
          %mul3A_172 = arith.constant 8192 : i32
          %mul3A_173 = arith.muli %arg0, %mul3A_172 : i32
          %mul3A_174 = arith.constant 16 : i32
          %mul3A_175 = arith.muli %reduce_max3A_147, %mul3A_174 : i32
          %add3A_176 = arith.addi %mul3A_173, %mul3A_175 : i32
          %add3A_177 = arith.addi %add3A_176, %scan3A_158 : i32
          "tpu.region"() ({
            %run_scoped3A = tpu.sem_alloc : memref<!tpu.dma_semaphore, #tpu.memory_space<semaphore_mem>>
            %dma_start3A_178 = arith.constant 0 : i32
            %dma_start3A_179 = tpu.memref_slice %arg6[%add3A_177, %dma_start3A_178] : memref<16384x128xf32, #tpu.memory_space<hbm>> -> memref<1x128xf32, #tpu.memory_space<hbm>>
            %dma_start3A_180 = arith.constant 0 : i32
            %dma_start3A_181 = tpu.memref_slice %arg3[%reduce_max3A_169, %dma_start3A_180] : memref<16384x128xf32, #tpu.memory_space<hbm>> -> memref<1x128xf32, #tpu.memory_space<hbm>>
            tpu.enqueue_dma source(%dma_start3A_181 : memref<1x128xf32, #tpu.memory_space<hbm>>) target(%dma_start3A_179 : memref<1x128xf32, #tpu.memory_space<hbm>>) target_semaphore(%run_scoped3A : memref<!tpu.dma_semaphore, #tpu.memory_space<semaphore_mem>>)
            %dma_wait3A_182 = arith.constant 0 : i32
            %dma_wait3A_183 = tpu.memref_slice %arg6[%add3A_177, %dma_wait3A_182] : memref<16384x128xf32, #tpu.memory_space<hbm>> -> memref<1x128xf32, #tpu.memory_space<hbm>>
            %dma_wait3A_184 = arith.constant 0 : i32
            %dma_wait3A_185 = tpu.memref_slice %arg3[%reduce_max3A_169, %dma_wait3A_184] : memref<16384x128xf32, #tpu.memory_space<hbm>> -> memref<1x128xf32, #tpu.memory_space<hbm>>
            tpu.wait_dma2 semaphore(%run_scoped3A : memref<!tpu.dma_semaphore, #tpu.memory_space<semaphore_mem>>) src(%dma_wait3A_185 : memref<1x128xf32, #tpu.memory_space<hbm>>) dst(%dma_wait3A_183 : memref<1x128xf32, #tpu.memory_space<hbm>>)
            tpu.yield
          }) : () -> ()
        } else {
        }
      }
      %scan3A_157 = arith.constant 16 : i32
    }
    return
  }
}

</mosaic_0001>

<sc_bundles>
// kernel: kernel.3.cloned.1.call-start
scs
__scs_entry_jumppad:
0x0: {  	(pc) =	sbr.rel $0x88, $3  }
0x1: {  	(tag) =	ssettag $0x0;
	lr =	simm.s32 $0x1  }
0x2: {  	[smem:$0x3F9D] =	sst lr;
	_ =	strace $0xD0000000  }
0x3: {  	_ = 	snop  }
0x4: {  	_ = 	snop  }
0x5: {  	_ = 	snop  }
0x6: {  	_ = 	snop  }
0x7: {  	_ = 	snop  }
__scs_overlays_trampoline_lowered:
0x8: {  	[smem:$0x3FAC] =	sst s0  }
0x9: {  	[smem:$0x3FAD] =	sst s1  }
0xa: {  	[smem:$0x3FAE] =	sst s2  }
0xb: {  	[smem:$0x3FAF] =	sst s3  }
0xc: {  	[smem:$0x3FB0] =	sst s4  }
0xd: {  	[smem:$0x3FB1] =	sst s5  }
0xe: {  	[smem:$0x3FB2] =	sst s6  }
0xf: {  	[smem:$0x3FB3] =	sst s7  }
0x10: {  	[smem:$0x3FB4] =	sst s8  }
0x11: {  	[smem:$0x3FB5] =	sst s9;
	s0 =	simm.s32 @!p0 $0x0  }
0x12: {  	s1 =	sld [smem:$0x3F9B];
	s0 =	simm.s32 @p0 $0x1  }
0x13: {  	[smem:$0x3FB6] =	sst s0;
	s0 =	simm.s32 @!p1 $0x0  }
0x14: {  	s2 =	sld [smem:$0x3F9A];
	s0 =	simm.s32 @p1 $0x1  }
0x15: {  	[smem:$0x3FB7] =	sst s0;
	s0 =	simm.s32 @!p2 $0x0  }
0x16: {  	s3 =	sld [smem:$0x3FDB];
	s0 =	simm.s32 @p2 $0x1  }
0x17: {  	s4 =	simm.s32 $0x1BF5;
	[smem:$0x3FB9] =	sst s0  }
0x18: {  	s0 =	sld [smem:$0x3F9C];
	_ =	swait.ge [sflag:s4], $0x0  }
0x19: {  	s7 =	sld [smem:$0x3F9D]  }
0x1a: {  	s8 =	sadd.s32 $0xFFFFE003, lr  }
0x1b: {  	s9 =	sadd.s32 $0xFFFFFEF7, lr;
	s5 =	simm.s32 $0xFFFFFFFF;
	p2 =	slt.u32 s8, $0xFFFFF086  }
0x1c: {  	p1 =	slt.u32 s9, $0xF7A;
	s5 =	simm.s32 @!p2 $0x0  }
0x1d: {  	s5 =	simm.s32 @p1 $0x1;
	p0 =	seq.s32 s7, s2  }
0x1e: {  	s7 =	smul.u32 @!p0 $0xF7A, s2;
	p2 =	seq.s32 @!p0 s5, $0x0  }
0x1f: {  	s9 =	smul.u32 $0xF7A, s1;
	s8 =	simm.s32 @!p0 $0x1BF5;
	p2 =	por !p2, p0  }
0x20: {  	[sflag:s8] =	ssyncset.s32 @!p0 $0xFFFFF086;
	s6 =	sadd.s32 @!p0 s3, s7;
	s7 =	simm.s32 @!p0 $0x108  }
0x21: {  	s3 =	sadd.s32 s3, s9;
	s6 =	sadd.s32 @!p0 $0x88, s6;
	s7 =	simm.s32 @p2 $0x1082  }
0x22: {  	[simem:s7], [sflag:s8] =	dma.local @!p0 [hbm:s6], $0xF7A  }
0x23: {  	s9 =	sor.u32 $0xD0000000, s2;
	s6 =	simm.s32 $0x108;
	_ =	swait.ge @!p0 [sflag:s8], $0x0  }
0x24: {  	s3 =	sadd.s32 $0x88, s3;
	s6 =	simm.s32 @!p1 $0x1082;
	[sflag:s4] =	ssyncset.s32 $0xFFFFF086  }
0x25: {  	[simem:s6], [sflag:s4] =	dma.local [hbm:s3], $0xF7A  }
0x26: {  	[smem:$0x3F9D] =	sst s1;
	(tag) =	ssettag s2;
	_ =	strace s9  }
0x27: {  	s1 =	sld [smem:$0x3FAD]  }
0x28: {  	s2 =	sld [smem:$0x3FAE]  }
0x29: {  	s4 =	sld [smem:$0x3FB0]  }
0x2a: {  	p0 =	seq.s32 s5, $0x0;
	s5 =	sld [smem:$0x3FB1]  }
0x2b: {  	s6 =	sld [smem:$0x3FB2]  }
0x2c: {  	s7 =	sld [smem:$0x3FB3]  }
0x2d: {  	s3 =	simm.s32 $0x108;
	s8 =	sld [smem:$0x3FB4]  }
0x2e: {  	s3 =	simm.s32 @!p0 $0x1082;
	s9 =	sld [smem:$0x3FB5]  }
0x2f: {  	lr =	sadd.s32 s0, s3;
	s0 =	sld [smem:$0x3FAC]  }
0x30: {  	s3 =	sld [smem:$0x3FAF]  }
0x31: {  	[smem:$0x3FB8] =	sst s10  }
0x32: {  	s10 =	sld [smem:$0x3FB6];
	_ =	sdelay $0x3  }
0x33: {  	p0 =	seq.s32 s10, $0x1;
	s10 =	sld [smem:$0x3FB8];
	_ =	sdelay $0x3  }
0x34: {  	[smem:$0x3FB8] =	sst s10  }
0x35: {  	s10 =	sld [smem:$0x3FB7];
	_ =	sdelay $0x3  }
0x36: {  	p1 =	seq.s32 s10, $0x1;
	s10 =	sld [smem:$0x3FB8];
	_ =	sdelay $0x3  }
0x37: {  	[smem:$0x3FB8] =	sst s10  }
0x38: {  	s10 =	sld [smem:$0x3FB9]  }
0x39: {  	_ = 	snop;
	(pc) =	sbr.ind lr, $3  }
0x3a: {  	_ = 	snop  }
0x3b: {  	_ = 	snop  }
0x3c: {  	p2 =	seq.s32 s10, $0x1;
	s10 =	sld [smem:$0x3FB8]  }
0x3d: {  	_ =	shalt  }
0x3e: {  	_ =	shalt  }
0x3f: {  	_ =	shalt  }
0x40: {  	_ =	shalt  }
0x41: {  	_ =	shalt  }
0x42: {  	_ =	shalt  }
0x43: {  	_ =	shalt  }
0x44: {  	_ =	shalt  }
0x45: {  	_ =	shalt  }
0x46: {  	_ =	shalt  }
0x47: {  	_ =	shalt  }
0x48: {  	_ =	shalt  }
0x49: {  	_ =	shalt  }
0x4a: {  	_ =	shalt  }
0x4b: {  	_ =	shalt  }
0x4c: {  	_ =	shalt  }
0x4d: {  	_ =	shalt  }
0x4e: {  	_ =	shalt  }
0x4f: {  	_ =	shalt  }
0x50: {  	_ =	shalt  }
0x51: {  	_ =	shalt  }
0x52: {  	_ =	shalt  }
0x53: {  	_ =	shalt  }
0x54: {  	_ =	shalt  }
0x55: {  	_ =	shalt  }
0x56: {  	_ =	shalt  }
0x57: {  	_ =	shalt  }
0x58: {  	_ =	shalt  }
0x59: {  	_ =	shalt  }
0x5a: {  	_ =	shalt  }
0x5b: {  	_ =	shalt  }
0x5c: {  	_ =	shalt  }
0x5d: {  	_ =	shalt  }
0x5e: {  	_ =	shalt  }
0x5f: {  	_ =	shalt  }
0x60: {  	_ =	shalt  }
0x61: {  	_ =	shalt  }
0x62: {  	_ =	shalt  }
0x63: {  	_ =	shalt  }
0x64: {  	_ =	shalt  }
0x65: {  	_ =	shalt  }
0x66: {  	_ =	shalt  }
0x67: {  	_ =	shalt  }
0x68: {  	_ =	shalt  }
0x69: {  	_ =	shalt  }
0x6a: {  	_ =	shalt  }
0x6b: {  	_ =	shalt  }
0x6c: {  	_ =	shalt  }
0x6d: {  	_ =	shalt  }
0x6e: {  	_ =	shalt  }
0x6f: {  	_ =	shalt  }
0x70: {  	_ =	shalt  }
0x71: {  	_ =	shalt  }
0x72: {  	_ =	shalt  }
0x73: {  	_ =	shalt  }
0x74: {  	_ =	shalt  }
0x75: {  	_ =	shalt  }
0x76: {  	_ =	shalt  }
0x77: {  	_ =	shalt  }
0x78: {  	_ =	shalt  }
0x79: {  	_ =	shalt  }
0x7a: {  	_ =	shalt  }
0x7b: {  	_ =	shalt  }
0x7c: {  	_ =	shalt  }
0x7d: {  	_ =	shalt  }
0x7e: {  	_ =	shalt  }
0x7f: {  	_ =	shalt  }
0x80: {  	_ =	shalt  }
0x81: {  	_ =	shalt  }
0x82: {  	_ =	shalt  }
0x83: {  	_ =	shalt  }
0x84: {  	_ =	shalt  }
0x85: {  	_ =	shalt  }
0x86: {  	_ =	shalt  }
0x87: {  	_ =	shalt  }
.Lfunc_end0:
.L_simem_size_0:
called_computation_lowered:
.L_overlay_start_0:
0x88: {  	s2 =	sld [smem:$0x3FD9]  }
0x89: {  	s3 =	sld [smem:$0x3FFE];
	_ =	sdelay $0x1  }
0x8a: {  	s1 =	srdreg.scid  }
0x8b: {  	s0 =	sand.u32 $0x1, s1  }
0x8c: {  	s18 =	sshll.u32 s0, $0xA;
	s2 =	sadd.s32 s3, s2  }
0x8d: {  	s2 =	sadd.s32 s2, s18  }
0x8e: {  	[smem:$0x3FC4] =	sst s2  }
0x8f: {  	_ = 	snop  }
0x90: {  	s2 =	sld [smem:$0x3FC9]  }
0x91: {  	s19 =	sld [smem:$0x3FC8]  }
0x92: {  	s4 =	sld [smem:$0x3FC7]  }
0x93: {  	s5 =	sld [smem:$0x3FC6]  }
0x94: {  	s6 =	sld [smem:$0x3FD0];
	(tm) =	ssettm $0x1  }
0x95: {  	s7 =	sld [smem:$0x3FFB];
	_ =	sdelay $0x3  }
0x96: {  	_ =	strace s7  }
0x97: {  	s7 =	sld [smem:$0x3FFC];
	_ =	sdelay $0x3  }
0x98: {  	_ =	strace s7  }
0x99: {  	s7 =	sld [smem:$0x3FFD];
	_ =	sdelay $0x3  }
0x9a: {  	_ =	strace s7  }
0x9b: {  	_ =	strace $0x8FFFFFFF  }
0x9c: {  	s20 =	sld [smem:$0x3FDB];
	_ =	sdelay $0x1  }
0x9d: {  	s8 =	simm.s32 $_scs_section_size  }
0x9e: {  	s9 =	simm.s32 $_size__tile_overlayer_lowered;
	s10 =	simm.s32 $_tile_overlayer_lowered  }
0x9f: {  	s23 =	simm.s32 $0x1BFF;
	s22 =	sshll.u32 s10, $0x1;
	s7 =	sadd.s32 s8, s20  }
0xa0: {  	s11 =	simm.s32 $0x0;
	s21 =	sshll.u32 s9, $0x1;
	s9 =	sadd.s32 s22, s7  }
0xa1: {  	[timem:s11], [sflag:s23] =	dma.local [hbm:s9], s21  }
0xa2: {  	_ =	swait.ge [sflag:s23], s21  }
0xa3: {  	s8 =	ssub.s32 $0x0, s21;
	[sflag:s23] =	ssyncset.done $0x0  }
0xa4: {  	[sflag:s23] =	ssyncadd.s32 s8;
	_ =	sdelay $0x1  }
0xa5: {  	s24 =	simm.s32 $0x1B8B  }
0xa6: {  	_ =	swait.ge [sflag:s24], $0x1  }
0xa7: {  	[sflag:s24] =	ssyncset.done $0x0  }
0xa8: {  	s25 =	simm.s32 $0x1B8E;
	[sflag:s24] =	ssyncadd.s32 $0xFFFFFFFF  }
0xa9: {  	s26 =	simm.s32 $execute0_lowered;
	[smem:$0x3FD2] =	sst s25  }
0xaa: {  	s8 =	sshll.u32 s26, $0x1;
	_ =	strace $0x80000046;
	[dreg:$0x1] =	wrdreg $0xFFFFFFFF  }
0xab: {  	s28 =	simm.s32 $_size_execute0_lowered;
	s7 =	sadd.s32 s7, s8;
	[dreg:$0x0] =	wrdreg $0x0  }
0xac: {  	s8 =	sshll.u32 s28, $0x1;
	[dreg:$0x2] =	wrdreg s7  }
0xad: {  	[dreg:$0x3] =	wrdreg s8  }
0xae: {  	[dreg:$0x4] =	wrdreg $0xC0  }
0xaf: {  	_ =	task [dreg:s11], $0x5FFFF  }
0xb0: {  	[dreg:$0x1] =	wrdreg $0xFFFFFFFF  }
0xb1: {  	[dreg:$0x0] =	wrdreg $0x60  }
0xb2: {  	[dreg:$0x2] =	wrdreg s2  }
0xb3: {  	[dreg:$0x3] =	wrdreg s19  }
0xb4: {  	[dreg:$0x4] =	wrdreg s4  }
0xb5: {  	[dreg:$0x5] =	wrdreg s5  }
0xb6: {  	[dreg:$0x6] =	wrdreg s6  }
0xb7: {  	[dreg:$0x7] =	wrdreg $0x9  }
0xb8: {  	_ =	task.clear_ibuf [dreg:s11], $0x8FFFF;
	_ =	strace $0x90000046  }
0xb9: {  	s29 =	simm.s32 $0x9;
	_ =	strace $0x80000048  }
0xba: {  	_ =	swait.ge [sflag:s29], $0x1  }
0xbb: {  	[sflag:s29] =	ssyncadd.s32 $0xFFFFFFFF  }
0xbc: {  	_ =	strace $0x90000048  }
0xbd: {  	_ =	sfence  }
0xbe: {  	s30 =	sld [smem:$0x0];
	_ =	sdelay $0x2  }
0xbf: {  	s31 =	sshll.u32 s1, $0xD;
	s1 =	sshrl.u32 s1, $0x2  }
0xc0: {  	s3 =	sand.u32 $0x4000, s31;
	s1 =	sadd.s32 s1, s30  }
0xc1: {  	s0 =	sor.u32 s3, s0;
	s1 =	sshll.u32 s1, $0x11  }
0xc2: {  	s0 =	sor.u32 s1, s0  }
0xc3: {  	s0 =	sadd.s32 $0x8F2B, s0  }
0xc4: {  	[sflag:s0] =	ssyncadd.remote.s32 $0x1  }
0xc5: {  	_ =	sfence.sel $0xFFFF  }
0xc6: {  	[dreg:$0x0] =	wrdreg $0xFFFFFFFF;
	(pc) =	sbr.abs _section_cstart, $3  }
0xc7: {  	[dreg:$0x1] =	wrdreg $0xFFFFFFFF  }
0xc8: {  	_ =	task.clear_ibuf [dreg:s11], $0x2FFFF;
	_ =	strace $0x9FFFFFFF  }
0xc9: {  	(tm) =	ssettm $0x7FFFFFFF  }
tec
execute0_lowered:
.L_overlay_start_1:
0x0: {  	(tag) =	ssettag $0x1  }
0x1: {  	s0 =	rddreg [dreg:$0x0]  }
0x2: {  	s2 =	rddreg [dreg:$0x1]  }
0x3: {  	s1 =	rddreg [dreg:$0x3];
	s3 =	srdreg.scid  }
0x4: {  	s4 =	rddreg [dreg:$0x4];
	s5 =	simm.s32 $0x0;
	s6 =	stileid.u32  }
0x5: {  	s28 =	simm.s32 $0x15500;
	s29 =	simm.s32 $0x17500;
	s30 =	simm.s32 $0x17700  }
0x6: {  	s31 =	simm.s32 $0x0;
	s3 =	sand.u32 $0x1, s3;
	[smem:$0x7FF] =	sst s5  }
0x7: {  	s9 =	smul.u32 $0xF500, s6;
	s10 =	sshll.u32 s6, $0xD;
	s19 =	sshll.u32 s6, $0x9  }
0x8: {  	s7 =	ssub.s32 $0x2, s3;
	_ =	strace $0x80000047;
	s11 =	sshll.u32 s3, $0x11  }
0x9: {  	s12 =	sshll.u32 s3, $0xA;
	s20 =	sor.u32 $0x80, s19;
	[dreg:$0x6] =	wrdreg s19  }
0xa: {  	s21 =	sor.u32 $0x100, s19;
	s8 =	sshrl.u32 s7, $0x1;
	[dreg:$0x8] =	wrdreg s20  }
0xb: {  	s10 =	sor.u32 s10, s11;
	s1 =	sadd.s32 s1, s12;
	[dreg:$0xa] =	wrdreg s21  }
0xc: {  	s8 =	ssub.s32 s7, s8;
	[dreg:$0x7] =	wrdreg s1;
	s7 =	sor.u32 $0x180, s19  }
0xd: {  	s17 =	sshll.u32 s3, $0x14;
	s10 =	sadd.s32 s4, s10;
	[dreg:$0xc] =	wrdreg s7  }
0xe: {  	s22 =	sadd.s32 $0xF500, s9;
	s23 =	sadd.s32 $0x800, s10;
	[dreg:$0x9] =	wrdreg s10  }
.Ltmp0:
0xf: {  	s24 =	sadd.s32 $0x1000, s10;
	[dreg:$0xb] =	wrdreg s23;
	(pc) =	sbr.rel .LBB2_1-.Ltmp0, $4  }
0x10: {  	s20 =	simm.s32 $0x17980;
	s25 =	sadd.s32 $0x1800, s10;
	[dreg:$0xd] =	wrdreg s24  }
0x11: {  	s21 =	simm.s32 $0x1B980;
	s26 =	smax.u32 s8, $0x1;
	[dreg:$0xe] =	wrdreg s25  }
0x12: {  	v2 =	vimm.s32 $0xFFFFFFFF;
	v3 =	vlaneseq.u32;
	s19 =	simm.s32 $0x80;
	[dreg:$0xf] =	wrdreg s26;
	s23 =	simm.s32 $0x3  }
0x13: {  	v4 =	vimm.s32 $0x7FFFFFFF;
	v0 =	vmov s9;
	v1 =	vmov s22;
	s24 =	simm.s32 $0x1;
	s25 =	simm.s32 $0x2;
	s26 =	simm.s32 $0x2000  }
.LBB2_28:
0x14: {  	s31 =	sadd.s32 $0x1, s31;
	s1 =	rddreg [dreg:$0xf]  }
0x15: {  	p0 =	sne.s32 s31, s1  }
.Ltmp1:
0x16: {  	_ = 	snop;
	(pc) =	sbr.rel @!p0 .LBB2_29-.Ltmp1, $2  }
0x17: {  	_ =	sdelay $0x2  }
0x18: {  	s5 =	simm.s32 $0x0  }
.LBB2_1:
0x19: {  	s1 =	rddreg [dreg:$0x7];
	s15 =	simm.s32 $0x4  }
0x1a: {  	[tilespmem:s5], [sflag:$0x4] =	stream.linear.gather [hbm4b:s1+s5], $0x2000, $0x38;
	[tilespmem:$0x1F980] =	vst v63  }
0x1b: {  	_ =	swait.ge [sflag:s15], $0x2000  }
0x1c: {  	[sflag:s15] =	ssyncset.done $0x0  }
0x1d: {  	s16 =	rddreg [dreg:$0x6];
	[sflag:s15] =	ssyncadd.s32 $0xFFFFE000  }
0x1e: {  	[tilespmem:s20], [sflag:$0x1] =	stream.indirect.gather [hbm4b:s0+s19], $0x80, s16, s19, $0xb8;
	[tilespmem:$0x1F980] =	vst v63  }
0x1f: {  	s18 =	rddreg [dreg:$0x8]  }
0x20: {  	[tilespmem:s21], [sflag:$0x1] =	stream.indirect.gather [hbm4b:s0+s19], $0x80, s18, s19, $0xb8;
	[tilespmem:$0x1F980] =	vst v63  }
0x21: {  	s3 =	simm.s32 $0x11500;
	s1 =	simm.s32 $0x2040;
	s22 =	rddreg [dreg:$0x2]  }
0x22: {  	[tilespmem:s3], [sflag:$0x3] =	stream.linear.gather [hbm4b:s22+s5], $0x4000, $0x38;
	[tilespmem:$0x1F980] =	vst v63  }
0x23: {  	[tilespmem:s1+$0xFFFFFFC0] =	vst v2  }
0x24: {  	[tilespmem:s1+$0x30] =	vst v2  }
0x25: {  	[tilespmem:s1+$0x20] =	vst v2  }
0x26: {  	[tilespmem:s1+$0x10] =	vst v2  }
0x27: {  	[tilespmem:s1+$0x0] =	vst v2  }
0x28: {  	[tilespmem:s1+$0xFFFFFFF0] =	vst v2  }
0x29: {  	s3 =	simm.s32 $0x0;
	[tilespmem:s1+$0xFFFFFFE0] =	vst v2  }
.LBB2_2:
0x2a: {  	s3 =	sadd.s32 $0x8, s3;
	[tilespmem:s1+$0xFFFFFFD0] =	vst v2;
	s1 =	sadd.s32 $0x80, s1  }
0x2b: {  	[tilespmem:s1+$0xFFFFFFC0] =	vst v2;
	p0 =	slt.u32 s3, $0xF48  }
0x2c: {  	[tilespmem:s1+$0x30] =	vst v2  }
.Ltmp2:
0x2d: {  	[tilespmem:s1+$0x20] =	vst v2;
	(pc) =	sbr.rel @p0 .LBB2_2-.Ltmp2, $4  }
0x2e: {  	[tilespmem:s1+$0x10] =	vst v2  }
0x2f: {  	[tilespmem:s1+$0x0] =	vst v2  }
0x30: {  	[tilespmem:s1+$0xFFFFFFF0] =	vst v2  }
0x31: {  	[tilespmem:s1+$0xFFFFFFE0] =	vst v2  }
0x32: {  	[tilespmem:s1+$0xFFFFFFD0] =	vst v2  }
0x33: {  	_ =	swait.ge [sflag:s23], $0x4000  }
0x34: {  	[sflag:s23] =	ssyncset.done $0x0  }
0x35: {  	[sflag:s23] =	ssyncadd.s32 $0xFFFFC000  }
0x36: {  	_ =	swait.ge [sflag:s24], $0x4000  }
0x37: {  	[sflag:s24] =	ssyncset.done $0x0  }
0x38: {  	s16 =	rddreg [dreg:$0x9];
	[sflag:s24] =	ssyncadd.s32 $0xFFFFC000  }
0x39: {  	[hbm4b:s16+s5] =	stream.linear.scatter [tilespmem:s20], [sflag:$0x2], $0x4000, $0x38;
	[tilespmem:$0x1F980] =	vst v63  }
0x3a: {  	_ =	swait.ge [sflag:s25], $0x4000  }
0x3b: {  	[sflag:s25] =	ssyncset.done $0x0  }
0x3c: {  	s22 =	simm.s32 $0x11540;
	s18 =	rddreg [dreg:$0xa];
	[sflag:s25] =	ssyncadd.s32 $0xFFFFC000  }
0x3d: {  	[tilespmem:s20], [sflag:$0x1] =	stream.indirect.gather [hbm4b:s0+s19], $0x80, s18, s19, $0xb8;
	[tilespmem:$0x1F980] =	vst v63  }
0x3e: {  	v5 =	vld [tilespmem:s22+$0x30]  }
0x3f: {  	v6 =	vld [tilespmem:s22+$0xFFFFFFC0]  }
0x40: {  	v11 =	vld [tilespmem:s22+$0xFFFFFFD0]  }
0x41: {  	v12 =	vld [tilespmem:s22+$0xFFFFFFE0]  }
0x42: {  	v13 =	vld [tilespmem:s22+$0xFFFFFFF0]  }
0x43: {  	v15 =	vld [tilespmem:s22+$0x10]  }
0x44: {  	s1 =	simm.s32 $0x70;
	v16 =	vld [tilespmem:s22+$0x20]  }
0x45: {  	v19 =	vor.u32 s1, v3;
	v14 =	vld [tilespmem:s22+$0x0];
	vm0 =	vge.s32 v5, v0;
	vm1 =	vlt.s32 v5, v1  }
0x46: {  	v7 =	vsub.s32 v5, v0;
	v5 =	vand.u32 $0x7F, v5;
	v8 =	vsub.s32 v6, v0  }
0x47: {  	v9 =	vsub.s32 v11, v0;
	vm3 =	vlt.s32 v6, v1;
	vm9 =	vge.s32 v11, v0  }
0x48: {  	v10 =	vsub.s32 v13, v0;
	vm12 =	vlt.s32 v11, v1;
	v18 =	vsub.s32 v15, v0  }
0x49: {  	vm13 =	vlt.s32 v12, v1;
	v21 =	vsub.s32 v16, v0;
	vm10 =	vge.s32 v13, v0  }
0x4a: {  	vm11 =	vlt.s32 v13, v1;
	vm4 =	vge.s32 v14, v0;
	vm6 =	vlt.s32 v14, v1  }
0x4b: {  	vm5 =	vge.s32 v15, v0;
	vm8 =	vlt.s32 v15, v1;
	vm7 =	vge.s32 v16, v0  }
0x4c: {  	v62 =	vand.u32 $0x7F, v12;
	v63 =	vand.u32 $0x7F, v13;
	v13 =	vand.u32 $0x7F, v16  }
0x4d: {  	vm2 =	vmand vm0, vm1;
	v7 =	vand.u32 $0xFFFFFF80, v7;
	vm0 =	vge.s32 v6, v0  }
0x4e: {  	v8 =	vand.u32 $0xFFFFFF80, v8;
	v17 =	vand.u32 $0xFFFFFF80, v9;
	v9 =	vsub.s32 v14, v0  }
0x4f: {  	vm1 =	vge.s32 v12, v0;
	v22 =	vand.u32 $0xFFFFFF80, v10;
	v6 =	vand.u32 $0x7F, v6  }
0x50: {  	v10 =	vand.u32 $0xFFFFFF80, v21;
	v14 =	vand.u32 $0x7F, v14;
	v5 =	vor.u32 v5, v7  }
0x51: {  	v7 =	vsub.s32 v12, v0;
	vm3 =	vmand vm0, vm3;
	v8 =	vor.u32 v6, v8  }
0x52: {  	vm0 =	vmand vm9, vm12;
	vm9 =	vlt.s32 v16, v1;
	v6 =	vand.u32 $0x7F, v11  }
0x53: {  	s3 =	simm.s32 $0x0;
	s12 =	simm.s32 $0x10;
	s9 =	simm.s32 $0x20;
	v12 =	vand.u32 $0x7F, v15;
	vm1 =	vmand vm1, vm13;
	v20 =	vand.u32 $0xFFFFFF80, v7  }
0x54: {  	s11 =	simm.s32 $0x30;
	s14 =	simm.s32 $0x40;
	s13 =	simm.s32 $0x60;
	v7 =	vand.u32 $0xFFFFFF80, v9;
	v9 =	vand.u32 $0xFFFFFF80, v18;
	v11 =	vor.u32 v6, v17  }
0x55: {  	s15 =	simm.s32 $0x0;
	s8 =	simm.s32 $0x115C0;
	s22 =	simm.s32 $0x50;
	v6 =	vor.u32 v62, v20;
	[tilespmem:v5+s26+$0x0] =	vst.idx.msk vm2, v19;
	vm2 =	vmand vm10, vm11;
	v5 =	vor.u32 v63, v22  }
.LBB2_4:
0x56: {  	v15 =	vld [tilespmem:s8+$0x30];
	s3 =	sadd.s32 $0x8, s3;
	vm6 =	vmand vm4, vm6;
	v7 =	vor.u32 v14, v7;
	vm4 =	vmand vm5, vm8  }
0x57: {  	v9 =	vor.u32 v12, v9;
	vm5 =	vmand vm7, vm9;
	v10 =	vor.u32 v13, v10;
	v14 =	vld [tilespmem:s8+$0xFFFFFFC0];
	p0 =	slt.u32 s3, $0x3F8  }
0x58: {  	v13 =	vor.u32 s15, v3;
	v16 =	vor.u32 s12, v3;
	v17 =	vor.u32 s9, v3;
	v12 =	vld [tilespmem:s8+$0xFFFFFFD0]  }
0x59: {  	v19 =	vor.u32 s11, v3;
	v20 =	vor.u32 s14, v3;
	v21 =	vor.u32 s22, v3;
	v18 =	vld [tilespmem:s8+$0xFFFFFFE0]  }
0x5a: {  	v22 =	vld [tilespmem:s8+$0xFFFFFFF0];
	[tilespmem:v8+s26+$0x0] =	vst.idx.msk vm3, v13;
	v8 =	vor.u32 s13, v3  }
0x5b: {  	v13 =	vld [tilespmem:s8+$0x0];
	vm3 =	vge.s32 v15, v0;
	vm7 =	vlt.s32 v15, v1;
	v23 =	vsub.s32 v15, v0  }
0x5c: {  	v15 =	vand.u32 $0x7F, v15;
	v24 =	vld [tilespmem:s8+$0x10];
	vm7 =	vmand vm3, vm7;
	v23 =	vand.u32 $0xFFFFFF80, v23;
	[tilespmem:v11+s26+$0x0] =	vst.idx.msk vm0, v16  }
0x5d: {  	v11 =	vsub.s32 v14, v0;
	v16 =	vsub.s32 v12, v0;
	v25 =	vld [tilespmem:s8+$0x20];
	v15 =	vor.u32 v15, v23  }
0x5e: {  	vm0 =	vge.s32 v14, v0;
	vm3 =	vlt.s32 v14, v1;
	v23 =	vsub.s32 v18, v0  }
0x5f: {  	v11 =	vand.u32 $0xFFFFFF80, v11;
	vm10 =	vge.s32 v12, v0;
	v26 =	vsub.s32 v22, v0;
	[tilespmem:v6+s26+$0x0] =	vst.idx.msk vm1, v17  }
0x60: {  	s1 =	sadd.s32 $0x80, s1;
	vm1 =	vlt.s32 v12, v1;
	v6 =	vand.u32 $0xFFFFFF80, v16;
	v16 =	vsub.s32 v13, v0;
	[tilespmem:v5+s26+$0x0] =	vst.idx.msk vm2, v19  }
0x61: {  	s12 =	sadd.s32 $0xFFFFFFA0, s1;
	s9 =	sadd.s32 $0xFFFFFFB0, s1;
	s11 =	sadd.s32 $0xFFFFFFC0, s1;
	v17 =	vor.u32 s1, v3;
	vm2 =	vge.s32 v18, v0;
	v5 =	vsub.s32 v24, v0;
	[tilespmem:v7+s26+$0x0] =	vst.idx.msk vm6, v20  }
0x62: {  	s14 =	sadd.s32 $0xFFFFFFD0, s1;
	s22 =	sadd.s32 $0xFFFFFFE0, s1;
	s13 =	sadd.s32 $0xFFFFFFF0, s1;
	vm11 =	vlt.s32 v18, v1;
	v19 =	vand.u32 $0xFFFFFF80, v23;
	v20 =	vsub.s32 v25, v0;
	[tilespmem:v15+s26+$0x0] =	vst.idx.msk vm7, v17  }
0x63: {  	s15 =	sadd.s32 $0xFFFFFF90, s1;
	vm12 =	vge.s32 v22, v0;
	vm13 =	vlt.s32 v22, v1;
	v15 =	vand.u32 $0xFFFFFF80, v26;
	[tilespmem:v9+s26+$0x0] =	vst.idx.msk vm4, v21  }
0x64: {  	vm6 =	vlt.s32 v13, v1;
	v7 =	vand.u32 $0xFFFFFF80, v16;
	vm4 =	vge.s32 v13, v0;
	[tilespmem:v10+s26+$0x0] =	vst.idx.msk vm5, v8  }
0x65: {  	vm8 =	vlt.s32 v24, v1;
	v9 =	vand.u32 $0xFFFFFF80, v5;
	vm5 =	vge.s32 v24, v0  }
0x66: {  	vm7 =	vge.s32 v25, v0;
	vm9 =	vlt.s32 v25, v1;
	v10 =	vand.u32 $0xFFFFFF80, v20  }
.Ltmp3:
0x67: {  	v16 =	vand.u32 $0x7F, v12;
	v17 =	vand.u32 $0x7F, v18;
	v5 =	vand.u32 $0x7F, v14;
	(pc) =	sbr.rel @p0 .LBB2_4-.Ltmp3, $4  }
0x68: {  	v12 =	vand.u32 $0x7F, v24;
	v18 =	vand.u32 $0x7F, v22;
	v14 =	vand.u32 $0x7F, v13  }
0x69: {  	vm3 =	vmand vm0, vm3;
	v13 =	vand.u32 $0x7F, v25;
	v8 =	vor.u32 v5, v11  }
0x6a: {  	vm0 =	vmand vm10, vm1;
	vm1 =	vmand vm2, vm11;
	v11 =	vor.u32 v16, v6  }
0x6b: {  	s8 =	sadd.s32 $0x80, s8;
	vm2 =	vmand vm12, vm13;
	v6 =	vor.u32 v17, v19;
	v5 =	vor.u32 v18, v15  }
0x6c: {  	_ =	sdelay $0x2  }
0x6d: {  	vm4 =	vmand vm4, vm6  }
0x6e: {  	v7 =	vor.u32 v14, v7;
	vm5 =	vmand vm5, vm8;
	v14 =	vor.u32 s15, v3  }
0x6f: {  	v9 =	vor.u32 v12, v9;
	vm10 =	vmand vm7, vm9;
	v12 =	vor.u32 s12, v3;
	[tilespmem:v8+s26+$0x0] =	vst.idx.msk vm3, v14  }
0x70: {  	v8 =	vor.u32 v13, v10;
	v10 =	vor.u32 s9, v3;
	[tilespmem:v11+s26+$0x0] =	vst.idx.msk vm0, v12  }
0x71: {  	v11 =	vor.u32 s11, v3;
	[tilespmem:v6+s26+$0x0] =	vst.idx.msk vm1, v10  }
0x72: {  	v6 =	vor.u32 s14, v3;
	[tilespmem:v5+s26+$0x0] =	vst.idx.msk vm2, v11  }
0x73: {  	v5 =	vor.u32 s22, v3;
	[tilespmem:v7+s26+$0x0] =	vst.idx.msk vm4, v6  }
0x74: {  	v6 =	vor.u32 s13, v3;
	[tilespmem:v9+s26+$0x0] =	vst.idx.msk vm5, v5  }
0x75: {  	[tilespmem:v8+s26+$0x0] =	vst.idx.msk vm10, v6  }
0x76: {  	_ =	swait.ge [sflag:s24], $0x4000  }
0x77: {  	[sflag:s24] =	ssyncset.done $0x0  }
0x78: {  	s1 =	simm.s32 $0x0;
	s3 =	rddreg [dreg:$0xb];
	[sflag:s24] =	ssyncadd.s32 $0xFFFFC000  }
0x79: {  	[hbm4b:s3+s1] =	stream.linear.scatter [tilespmem:s21], [sflag:$0x2], $0x4000, $0x38;
	[tilespmem:$0x1F980] =	vst v63  }
0x7a: {  	_ =	swait.ge [sflag:s25], $0x4000  }
0x7b: {  	[sflag:s25] =	ssyncset.done $0x0  }
0x7c: {  	s11 =	simm.s32 $0x11540;
	s10 =	rddreg [dreg:$0xc];
	[sflag:s25] =	ssyncadd.s32 $0xFFFFC000  }
0x7d: {  	[tilespmem:s21], [sflag:$0x1] =	stream.indirect.gather [hbm4b:s0+s19], $0x80, s10, s19, $0xb8;
	[tilespmem:$0x1F980] =	vst v63  }
0x7e: {  	v5 =	vld [tilespmem:s11+$0x30];
	_ =	sdelay $0x2  }
0x7f: {  	v7 =	vld [tilespmem:s11+$0xFFFFFFE0]  }
0x80: {  	v8 =	vld [tilespmem:s11+$0xFFFFFFF0]  }
0x81: {  	vm11 =	vge.s32 v5, v0;
	vm12 =	vlt.s32 v5, v1  }
0x82: {  	v5 =	vsub.s32 v5, v0;
	vm2 =	vmand vm11, vm12  }
0x83: {  	v5 =	vnsel vm2, $0x0, v5  }
0x84: {  	vm15 =	vge.s32 v7, v0  }
0x85: {  	v6 =	vld [tilespmem:s11+$0xFFFFFFD0];
	vm5 =	vge.s32 v8, v0;
	vm7 =	vlt.s32 v8, v1;
	vm12 =	vlt.s32 v7, v1  }
0x86: {  	v11 =	vld [tilespmem:s11+$0xFFFFFFC0];
	v8 =	vsub.s32 v8, v0;
	vm1 =	vmand vm15, vm12;
	vm15 =	vmand vm5, vm7  }
0x87: {  	s12 =	simm.s32 $0x70;
	v8 =	vnsel vm15, $0x0, v8  }
0x88: {  	s15 =	simm.s32 $0x40;
	s16 =	simm.s32 $0x50;
	v13 =	vor.u32 s12, v3;
	v5 =	vld.idx.msk [tilespmem:v5+s26+$0x0], $0xffff  }
0x89: {  	v15 =	vor.u32 s15, v3;
	v16 =	vor.u32 s1, v3;
	v18 =	vor.u32 s16, v3;
	s16 =	simm.s32 $0xE0;
	v9 =	vld [tilespmem:s11+$0x0]  }
0x8a: {  	v25 =	vor.u32 s16, v3;
	v10 =	vld [tilespmem:s11+$0x10];
	vm13 =	vge.s32 v6, v0;
	vm14 =	vlt.s32 v6, v1  }
0x8b: {  	s14 =	simm.s32 $0x30;
	v12 =	vld [tilespmem:s11+$0x20];
	vm0 =	vmand vm13, vm14;
	vm13 =	vge.s32 v11, v0;
	vm14 =	vlt.s32 v11, v1  }
0x8c: {  	v14 =	vor.u32 s14, v3;
	v11 =	vsub.s32 v11, v0;
	vm6 =	vmand vm13, vm14;
	v8 =	vld.idx.msk [tilespmem:v8+s26+$0x0], $0xffff  }
0x8d: {  	s16 =	simm.s32 $0x5;
	v11 =	vnsel vm6, $0x0, v11;
	vm4 =	vne.s32 v5, v13;
	v5 =	vsub.s32 v6, v0  }
0x8e: {  	v63 =	vmov s16;
	v6 =	vsub.s32 v7, v0;
	v5 =	vnsel vm0, $0x0, v5  }
0x8f: {  	vm8 =	vge.s32 v9, v0;
	vm9 =	vlt.s32 v9, v1;
	v6 =	vnsel vm1, $0x0, v6  }
0x90: {  	s7 =	simm.s32 $0x115C0;
	vm10 =	vge.s32 v10, v0;
	vm3 =	vge.s32 v12, v0;
	vm2 =	vmand vm2, vm4  }
0x91: {  	vm11 =	vlt.s32 v10, v1;
	vm13 =	vne.s32 v8, v14;
	v14 =	vld [tilespmem:s7+$0xFFFFFFE0];
	v7 =	vsel vm2, $0x80000001, v4  }
0x92: {  	vm2 =	vmand vm8, vm9;
	(xrf0) =	vmax.scan.msk.u32 $0xffff, v7;
	v7 =	vsub.s32 v9, v0;
	v9 =	vsub.s32 v10, v0;
	v10 =	vld.idx.msk [tilespmem:v11+s26+$0x0], $0xffff  }
0x93: {  	vm12 =	vlt.s32 v12, v1;
	vm5 =	vmand vm10, vm11;
	v7 =	vnsel vm2, $0x0, v7;
	v5 =	vld.idx.msk [tilespmem:v5+s26+$0x0], $0xffff  }
0x94: {  	s8 =	simm.s32 $0x20;
	s10 =	simm.s32 $0x7;
	vm3 =	vmand vm3, vm12;
	v11 =	vsub.s32 v12, v0;
	v9 =	vnsel vm5, $0x0, v9;
	v6 =	vld.idx.msk [tilespmem:v6+s26+$0x0], $0xffff  }
0x95: {  	s13 =	simm.s32 $0x10;
	v54 =	vmov s10;
	v13 =	vor.u32 s8, v3;
	s8 =	simm.s32 $0x80;
	v11 =	vnsel vm3, $0x0, v11  }
0x96: {  	v24 =	vor.u32 s8, v3;
	vm14 =	vmand vm15, vm13;
	v12 =	vor.u32 s13, v3;
	s13 =	simm.s32 $0xF0  }
0x97: {  	s18 =	simm.s32 $0x60;
	v56 =	vor.u32 s13, v3;
	vm13 =	vlt.s32 v14, v1;
	vm9 =	vne.s32 v10, v16  }
0x98: {  	v10 =	vor.u32 s18, v3;
	v7 =	vld.idx.msk [tilespmem:v7+s26+$0x0], $0xffff;
	vm6 =	vmand vm6, vm9;
	vm10 =	vne.s32 v5, v12  }
0x99: {  	v9 =	vld.idx.msk [tilespmem:v9+s26+$0x0], $0xffff;
	v5 =	vsel vm6, $0x80000001, v4;
	vm11 =	vne.s32 v6, v13;
	vm0 =	vmand vm0, vm10  }
0x9a: {  	s22 =	simm.s32 $0x1;
	v16 =	vmov s1;
	v17, _, _ =	vpop (xrf0);
	v11 =	vld.idx.msk [tilespmem:v11+s26+$0x0], $0xffff;
	(xrf0) =	vmax.scan.msk.u32 $0xffff, v5;
	vm12 =	vmand vm1, vm11;
	v5 =	vsel vm0, $0x80000001, v4  }
0x9b: {  	s5 =	simm.s32 $0x2;
	v20 =	vld [tilespmem:s7+$0xFFFFFFC0];
	(v2sf) =	vpush v17, $0xF;
	v17 =	vmov s22;
	v8 =	vsel vm12, $0x80000001, v4;
	(xrf0) =	vmax.scan.msk.u32 $0xffff, v5  }
0x9c: {  	s22 =	simm.s32 $0xA0;
	v12 =	vand.u32 $0xFFFFFFF8, v16;
	v6 =	vmov s5;
	v5 =	vsel vm14, $0x80000001, v4;
	(xrf0) =	vmax.scan.msk.u32 $0xffff, v8  }
0x9d: {  	s5 =	simm.s32 $0xB0;
	v58 =	vor.u32 s22, v3;
	v12 =	vbroadcast v12, $0x0;
	v6 =	vand.u32 $0xFFFFFFFA, v6;
	(xrf0) =	vmax.scan.msk.u32 $0xffff, v5  }
0x9e: {  	v22 =	vor.u32 s5, v3;
	v16 =	vbroadcast v6, $0x0;
	vm4 =	vne.s32 v9, v18;
	v9 =	vld [tilespmem:s7+$0x30]  }
0x9f: {  	vm12 =	vge.s32 v14, v0;
	vm15 =	vne.s32 v7, v15;
	vm6 =	vne.s32 v11, v10  }
0xa0: {  	v55 =	vld [tilespmem:s7+$0x20];
	vm14 =	vge.s32 v20, v0;
	vm1 =	vmand vm2, vm15;
	vm0 =	vmand vm5, vm4;
	v11, _, _ =	vpop (xrf0)  }
0xa1: {  	vm7 =	vmand vm3, vm6;
	vm4 =	vmand vm12, vm13;
	(v2sf) =	vpush v11, $0xF;
	v15, _, _ =	vpop (xrf0)  }
0xa2: {  	v13 =	vld [tilespmem:s7+$0xFFFFFFD0];
	v10 =	vsel vm7, $0x80000001, v4;
	v11 =	vand.u32 $0xFFFFFFF9, v17;
	v17, _, _ =	vpop (xrf0);
	(v2sf) =	vpush v15, $0xF  }
0xa3: {  	v6 =	vld [tilespmem:s7+$0xFFFFFFF0];
	vm8 =	vge.s32 v9, v0;
	vm9 =	vlt.s32 v9, v1;
	v19, _, _ =	vpop (xrf0);
	(v2sf) =	vpush v17, $0xF  }
0xa4: {  	v9 =	vsub.s32 v9, v0;
	vm7 =	vmand vm8, vm9;
	(v2sf) =	vpush v19, $0xF  }
0xa5: {  	vm12 =	vlt.s32 v55, v1;
	vm15 =	vlt.s32 v20, v1;
	v9 =	vnsel vm7, $0x0, v9  }
0xa6: {  	v20 =	vsub.s32 v20, v0;
	v7 =	vsel vm1, $0x80000001, v4;
	v8 =	vsel vm0, $0x80000001, v4  }
0xa7: {  	vm10 =	vge.s32 v13, v0;
	vm11 =	vlt.s32 v13, v1;
	v13 =	vsub.s32 v13, v0  }
0xa8: {  	vm2 =	vmand vm10, vm11;
	vm5 =	vge.s32 v6, v0;
	vm0 =	vlt.s32 v6, v1;
	v15 =	vld [tilespmem:s7+$0x0]  }
0xa9: {  	s9 =	simm.s32 $0x3;
	v6 =	vsub.s32 v6, v0;
	v13 =	vnsel vm2, $0x0, v13;
	vm5 =	vmand vm5, vm0;
	v17 =	vld [tilespmem:s7+$0x10]  }
0xaa: {  	v5 =	vmov s9;
	v6 =	vnsel vm5, $0x0, v6;
	(xrf0) =	vmax.scan.msk.u32 $0xffff, v7;
	v7 =	vsub.s32 v14, v0;
	v9 =	vld.idx.msk [tilespmem:v9+s26+$0x0], $0xffff  }
0xab: {  	vm1 =	vge.s32 v55, v0;
	vm6 =	vmand vm14, vm15;
	v7 =	vnsel vm4, $0x0, v7  }
0xac: {  	v5 =	vand.u32 $0xFFFFFFFB, v5;
	vm1 =	vmand vm1, vm12;
	(xrf0) =	vmax.scan.msk.u32 $0xffff, v8;
	v8 =	vsub.s32 v55, v0  }
0xad: {  	v5 =	vbroadcast v5, $0x0;
	v8 =	vnsel vm1, $0x0, v8;
	vm8 =	vge.s32 v15, v0  }
0xae: {  	(xrf0) =	vmax.scan.msk.u32 $0xffff, v10;
	v13 =	vld.idx.msk [tilespmem:v13+s26+$0x0], $0xffff;
	vm9 =	vlt.s32 v15, v1;
	v14 =	vsub.s32 v15, v0;
	v15 =	vnsel vm6, $0x0, v20  }
0xaf: {  	s11 =	spop (v2sf);
	v31 =	vld.idx.msk [tilespmem:v6+s26+$0x0], $0xffff;
	vm10 =	vge.s32 v17, v0;
	vm11 =	vlt.s32 v17, v1;
	vm12 =	vne.s32 v9, v56  }
0xb0: {  	v17 =	vsub.s32 v17, v0;
	v29 =	vld.idx.msk [tilespmem:v7+s26+$0x0], $0xffff;
	vm0 =	vmand vm10, vm11;
	vm7 =	vmand vm7, vm12;
	s14 =	spop (v2sf)  }
0xb1: {  	s18 =	simm.s32 $0x90;
	vm3 =	vmand vm8, vm9;
	v10 =	vnsel vm0, $0x0, v17;
	v17 =	vsel vm7, $0x80000001, v4;
	s10 =	spop (v2sf)  }
0xb2: {  	s13 =	simm.s32 $0x9;
	v11 =	vbroadcast v11, $0x0;
	s7 =	simm.s32 $0xC0;
	v57, _, _ =	vpop (xrf0);
	v8 =	vld.idx.msk [tilespmem:v8+s26+$0x0], $0xffff;
	v9 =	vnsel vm3, $0x0, v14;
	v14 =	vor.u32 s18, v3;
	(xrf0) =	vmax.scan.msk.u32 $0xffff, v17;
	s18 =	spop (v2sf)  }
0xb3: {  	v23 =	vor.u32 s7, v3;
	v6 =	vmov s13;
	s12 =	sxor.u32 $0x80000000, s11;
	v59, _, _ =	vpop (xrf0);
	v15 =	vld.idx.msk [tilespmem:v15+s26+$0x0], $0xffff;
	s7 =	spop (v2sf);
	(v2sf) =	vpush v57, $0xF  }
0xb4: {  	v21 =	vmov s12;
	v28, _, _ =	vpop (xrf0);
	vm9 =	vne.s32 v31, v22;
	(v2sf) =	vpush v59, $0xF  }
0xb5: {  	vm14 =	vne.s32 v13, v14;
	vm15 =	vne.s32 v29, v58;
	(v2sf) =	vpush v28, $0xF  }
0xb6: {  	s15 =	simm.s32 $0xD0;
	vm10 =	vmand vm5, vm9;
	vm2 =	vmand vm2, vm14;
	vm8 =	vmand vm4, vm15;
	v10 =	vld.idx.msk [tilespmem:v10+s26+$0x0], $0xffff;
	s3 =	sxor.u32 $0x80000000, s14  }
0xb7: {  	vm14 =	vne.s32 v8, v25;
	v17 =	vor.u32 s15, v3;
	s15 =	simm.s32 $0x4;
	v26 =	vmov s3;
	v9 =	vld.idx.msk [tilespmem:v9+s26+$0x0], $0xffff  }
0xb8: {  	vm15 =	vmand vm1, vm14;
	v62 =	vmov s15;
	vm13 =	vne.s32 v15, v24;
	s5 =	sxor.u32 $0x80000000, s10;
	[tilespmem:v12+s28+$0x0] =	vst.idx.msk $0x1, v26;
	v12, _, _ =	vpop (xrf0)  }
0xb9: {  	[tilespmem:v54+s28+$0x0] =	vst.idx.msk $0x1, v21;
	s3 =	simm.s32 $0x8;
	vm6 =	vmand vm6, vm13;
	v27 =	vmov s5;
	(v2sf) =	vpush v12, $0xF  }
0xba: {  	v15 =	vand.u32 $0xFFFFFFFC, v62;
	v7 =	vmov s3;
	[tilespmem:v11+s28+$0x0] =	vst.idx.msk $0x1, v27;
	v11 =	vsel vm6, $0x80000001, v4  }
0xbb: {  	v8 =	vbroadcast v15, $0x0;
	s12 =	sxor.u32 $0x80000000, s7;
	vm13 =	vne.s32 v10, v17;
	(xrf0) =	vmax.scan.msk.u32 $0xffff, v11;
	v12 =	vsel vm2, $0x80000001, v4  }
0xbc: {  	v30 =	vmov s12;
	v11 =	vsel vm8, $0x80000001, v4;
	vm11 =	vne.s32 v9, v23;
	(xrf0) =	vmax.scan.msk.u32 $0xffff, v12  }
0xbd: {  	[tilespmem:v5+s28+$0x0] =	vst.idx.msk $0x1, v30;
	v5 =	vsel vm10, $0x80000001, v4;
	vm12 =	vmand vm3, vm11;
	(xrf0) =	vmax.scan.msk.u32 $0xffff, v11  }
0xbe: {  	s14 =	simm.s32 $0xA;
	s10 =	sxor.u32 $0x80000000, s18;
	v61 =	vand.u32 $0xFFFFFFF8, v7;
	vm0 =	vmand vm0, vm13;
	v9 =	vsel vm12, $0x80000001, v4;
	(xrf0) =	vmax.scan.msk.u32 $0xffff, v5  }
0xbf: {  	v7 =	vmov s14;
	s18 =	simm.s32 $0x6;
	v60 =	vmov s10;
	v5 =	vsel vm0, $0x80000001, v4;
	(xrf0) =	vmax.scan.msk.u32 $0xffff, v9  }
0xc0: {  	s22 =	simm.s32 $0xB;
	v10 =	vsel vm15, $0x80000001, v4;
	v12 =	vmov s18;
	v9 =	vand.u32 $0xFFFFFFFD, v63;
	(xrf0) =	vmax.scan.msk.u32 $0xffff, v5  }
0xc1: {  	s9 =	simm.s32 $0x11640;
	v11 =	vmov s22;
	v12 =	vand.u32 $0xFFFFFFFE, v12;
	v13, _, _ =	vpop (xrf0);
	v9 =	vbroadcast v9, $0x0;
	(xrf0) =	vmax.scan.msk.u32 $0xffff, v10  }
0xc2: {  	s11 =	simm.s32 $0x18;
	v14 =	vld [tilespmem:s9+$0x30];
	[tilespmem:v16+s28+$0x0] =	vst.idx.msk $0x1, v60;
	s22 =	simm.s32 $0x10;
	v5 =	vbroadcast v61, $0x0;
	(v2sf) =	vpush v13, $0xF;
	v10 =	vbroadcast v12, $0x0;
	v15, _, _ =	vpop (xrf0);
	s12 =	spop (v2sf)  }
.LBB2_6:
0xc3: {  	p0 =	slt.u32 s11, $0x3F8;
	v16 =	vld [tilespmem:s9+$0xFFFFFFD0];
	v19 =	vand.u32 $0xFFFFFFF9, v6;
	v7 =	vand.u32 $0xFFFFFFFA, v7;
	v12 =	vand.u32 $0xFFFFFFFB, v11;
	v17, _, _ =	vpop (xrf0);
	s12 =	sxor.u32 $0x80000000, s12;
	s13 =	spop (v2sf)  }
0xc4: {  	v18 =	vld [tilespmem:s9+$0xFFFFFFE0];
	v13 =	vbroadcast v19, $0x0;
	v11 =	vbroadcast v7, $0x0;
	v6, _, _ =	vpop (xrf0);
	v7 =	vmov s12;
	s12 =	sxor.u32 $0x80000000, s13;
	s13 =	spop (v2sf)  }
0xc5: {  	s14 =	sadd.s32 $0x7, s3;
	v12 =	vbroadcast v12, $0x0;
	v19 =	vld [tilespmem:s9+$0xFFFFFFF0];
	(v2sf) =	vpush v15, $0xF;
	v15, _, _ =	vpop (xrf0);
	[tilespmem:v8+s28+$0x0] =	vst.idx.msk $0x1, v7;
	v7 =	vmov s12;
	s12 =	sxor.u32 $0x80000000, s13  }
0xc6: {  	v20 =	vmov s14;
	v8 =	vld [tilespmem:s9+$0x0];
	(v2sf) =	vpush v17, $0xF;
	v17, _, _ =	vpop (xrf0);
	v21 =	vmov s12  }
0xc7: {  	v22 =	vld [tilespmem:s9+$0x10];
	vm0 =	vge.s32 v14, v0;
	vm1 =	vlt.s32 v14, v1;
	(v2sf) =	vpush v6, $0xF;
	v6, _, _ =	vpop (xrf0);
	[tilespmem:v9+s28+$0x0] =	vst.idx.msk $0x1, v7  }
0xc8: {  	v9 =	vsub.s32 v14, v0;
	vm2 =	vge.s32 v16, v0;
	v7 =	vld [tilespmem:s9+$0x20];
	vm7 =	vmand vm0, vm1;
	s12 =	spop (v2sf);
	[tilespmem:v10+s28+$0x0] =	vst.idx.msk $0x1, v21  }
0xc9: {  	vm0 =	vlt.s32 v16, v1;
	v10 =	vld [tilespmem:s9+$0xFFFFFFC0];
	vm1 =	vge.s32 v18, v0;
	v9 =	vnsel vm7, $0x0, v9;
	s12 =	sxor.u32 $0x80000000, s12  }
0xca: {  	vm3 =	vlt.s32 v18, v1;
	vm4 =	vge.s32 v19, v0;
	v14 =	vmov s12  }
0xcb: {  	vm0 =	vmand vm2, vm0;
	vm2 =	vlt.s32 v19, v1;
	vm8 =	vge.s32 v8, v0;
	[tilespmem:v20+s28+$0x0] =	vst.idx.msk $0x1, v14  }
0xcc: {  	vm9 =	vlt.s32 v8, v1;
	vm10 =	vge.s32 v22, v0;
	vm11 =	vlt.s32 v22, v1  }
0xcd: {  	vm3 =	vmand vm1, vm3;
	vm1 =	vge.s32 v7, v0;
	vm12 =	vlt.s32 v7, v1  }
0xce: {  	vm5 =	vmand vm4, vm2;
	vm6 =	vge.s32 v10, v0;
	vm13 =	vlt.s32 v10, v1;
	v9 =	vld.idx.msk [tilespmem:v9+s26+$0x0], $0xffff  }
0xcf: {  	vm4 =	vmand vm8, vm9;
	vm2 =	vmand vm10, vm11;
	vm6 =	vmand vm6, vm13  }
0xd0: {  	v14 =	vsub.s32 v16, v0;
	v10 =	vsub.s32 v10, v0;
	vm1 =	vmand vm1, vm12  }
0xd1: {  	s8 =	sadd.s32 $0x80, s8;
	v16 =	vsub.s32 v18, v0;
	v18 =	vsub.s32 v19, v0;
	v8 =	vsub.s32 v8, v0;
	s12 =	spop (v2sf)  }
0xd2: {  	s14 =	sadd.s32 $0x20, s8;
	s15 =	sadd.s32 $0x70, s8;
	s13 =	sadd.s32 $0x10, s8;
	v19 =	vsub.s32 v22, v0;
	v7 =	vsub.s32 v7, v0;
	v10 =	vnsel vm6, $0x0, v10  }
0xd3: {  	s16 =	sadd.s32 $0x30, s8;
	s7 =	sadd.s32 $0x40, s8;
	s10 =	sadd.s32 $0x50, s8;
	v20 =	vor.u32 s15, v3;
	v14 =	vnsel vm0, $0x0, v14;
	v16 =	vnsel vm3, $0x0, v16  }
0xd4: {  	s15 =	sadd.s32 $0x60, s8;
	v18 =	vnsel vm5, $0x0, v18;
	v8 =	vnsel vm4, $0x0, v8;
	s12 =	sxor.u32 $0x80000000, s12;
	vm8 =	vne.s32 v9, v20;
	s5 =	spop (v2sf)  }
0xd5: {  	v9 =	vnsel vm2, $0x0, v19;
	v19 =	vnsel vm1, $0x0, v7;
	vm7 =	vmand vm7, vm8;
	s5 =	sxor.u32 $0x80000000, s5;
	s18 =	spop (v2sf)  }
0xd6: {  	v21 =	vor.u32 s14, v3;
	v20 =	vor.u32 s13, v3;
	v7 =	vsel vm7, $0x80000001, v4;
	s13 =	sxor.u32 $0x80000000, s18;
	s14 =	spop (v2sf)  }
0xd7: {  	v23 =	vor.u32 s7, v3;
	v24 =	vor.u32 s10, v3;
	v22 =	vor.u32 s16, v3;
	v10 =	vld.idx.msk [tilespmem:v10+s26+$0x0], $0xffff;
	(xrf0) =	vmax.scan.msk.u32 $0xffff, v7;
	s7 =	sxor.u32 $0x80000000, s14  }
0xd8: {  	v25 =	vor.u32 s8, v3;
	v26 =	vor.u32 s15, v3;
	v14 =	vld.idx.msk [tilespmem:v14+s26+$0x0], $0xffff;
	(v2sf) =	vpush v15, $0xF  }
0xd9: {  	v7 =	vmov s12;
	v15 =	vld.idx.msk [tilespmem:v16+s26+$0x0], $0xffff;
	v16 =	vmov s5;
	(v2sf) =	vpush v17, $0xF  }
0xda: {  	v27 =	vmov s7;
	s5 =	sadd.s32 $0x1, s22;
	v17 =	vld.idx.msk [tilespmem:v18+s26+$0x0], $0xffff;
	v18 =	vmov s13;
	(v2sf) =	vpush v6, $0xF  }
0xdb: {  	v28 =	vmov s22;
	s7 =	sadd.s32 $0x4, s3;
	v6 =	vmov s5;
	s5 =	sadd.s32 $0x2, s22;
	v8 =	vld.idx.msk [tilespmem:v8+s26+$0x0], $0xffff;
	[tilespmem:v5+s28+$0x0] =	vst.idx.msk $0x1, v7  }
0xdc: {  	v5 =	vand.u32 $0xFFFFFFF8, v28;
	v7 =	vmov s5;
	s5 =	sadd.s32 $0x5, s3;
	v9 =	vld.idx.msk [tilespmem:v9+s26+$0x0], $0xffff;
	[tilespmem:v13+s28+$0x0] =	vst.idx.msk $0x1, v16;
	v13 =	vmov s7  }
0xdd: {  	vm7 =	vne.s32 v10, v25;
	v10 =	vld.idx.msk [tilespmem:v19+s26+$0x0], $0xffff;
	v16, _, _ =	vpop (xrf0);
	[tilespmem:v11+s28+$0x0] =	vst.idx.msk $0x1, v18;
	v11 =	vand.u32 $0xFFFFFFFC, v13;
	v13 =	vmov s5  }
0xde: {  	vm6 =	vmand vm6, vm7;
	vm7 =	vne.s32 v14, v20;
	(v2sf) =	vpush v16, $0xF;
	[tilespmem:v12+s28+$0x0] =	vst.idx.msk $0x1, v27  }
0xdf: {  	v12 =	vsel vm6, $0x80000001, v4;
	vm0 =	vmand vm0, vm7;
	vm6 =	vne.s32 v15, v21  }
0xe0: {  	v14 =	vsel vm0, $0x80000001, v4;
	vm0 =	vmand vm3, vm6;
	vm3 =	vne.s32 v17, v22;
	(xrf0) =	vmax.scan.msk.u32 $0xffff, v12  }
0xe1: {  	v12 =	vsel vm0, $0x80000001, v4;
	vm0 =	vmand vm5, vm3;
	vm3 =	vne.s32 v8, v23;
	(xrf0) =	vmax.scan.msk.u32 $0xffff, v14  }
0xe2: {  	v8 =	vsel vm0, $0x80000001, v4;
	vm0 =	vmand vm4, vm3;
	vm3 =	vne.s32 v9, v24;
	(xrf0) =	vmax.scan.msk.u32 $0xffff, v12  }
.Ltmp4:
0xe3: {  	v9 =	vsel vm0, $0x80000001, v4;
	vm0 =	vmand vm2, vm3;
	vm2 =	vne.s32 v10, v26;
	(xrf0) =	vmax.scan.msk.u32 $0xffff, v8;
	(pc) =	sbr.rel @p0 .LBB2_6-.Ltmp4, $4  }
0xe4: {  	s5 =	sadd.s32 $0x6, s3;
	s3 =	smov.u32 s22;
	s22 =	smov.u32 s11;
	v10 =	vsel vm0, $0x80000001, v4;
	vm0 =	vmand vm1, vm2;
	v8 =	vbroadcast v11, $0x0;
	(xrf0) =	vmax.scan.msk.u32 $0xffff, v9  }
0xe5: {  	s7 =	sadd.s32 $0x3, s3;
	v12 =	vmov s5;
	v9 =	vsel vm0, $0x80000001, v4;
	(xrf0) =	vmax.scan.msk.u32 $0xffff, v10;
	v10 =	vand.u32 $0xFFFFFFFD, v13  }
0xe6: {  	s9 =	sadd.s32 $0x80, s9;
	v11 =	vmov s7;
	v13, _, _ =	vpop (xrf0);
	(xrf0) =	vmax.scan.msk.u32 $0xffff, v9;
	v9 =	vbroadcast v10, $0x0;
	v10 =	vand.u32 $0xFFFFFFFE, v12  }
0xe7: {  	v5 =	vbroadcast v5, $0x0;
	s11 =	sadd.s32 $0x8, s11;
	v14 =	vld [tilespmem:s9+$0x30];
	(v2sf) =	vpush v13, $0xF;
	v15, _, _ =	vpop (xrf0);
	v10 =	vbroadcast v10, $0x0;
	s12 =	spop (v2sf)  }
0xe8: {  	v12 =	vld [tilespmem:s9+$0xFFFFFFD0]  }
0xe9: {  	v13 =	vld [tilespmem:s9+$0xFFFFFFE0]  }
0xea: {  	v16 =	vld [tilespmem:s9+$0xFFFFFFF0]  }
0xeb: {  	v17 =	vld [tilespmem:s9+$0x0]  }
0xec: {  	v18, _, _ =	vpop (xrf0);
	(v2sf) =	vpush v15, $0xF;
	v44 =	vld [tilespmem:s9+$0x10]  }
0xed: {  	v45 =	vld [tilespmem:s9+$0xFFFFFFC0];
	(v2sf) =	vpush v18, $0xF  }
0xee: {  	v19 =	vld [tilespmem:s9+$0x20];
	vm0 =	vge.s32 v14, v0;
	vm1 =	vlt.s32 v14, v1;
	v46 =	vsub.s32 v14, v0  }
0xef: {  	vm2 =	vge.s32 v12, v0;
	vm7 =	vmand vm0, vm1;
	vm13 =	vlt.s32 v12, v1  }
0xf0: {  	vm14 =	vge.s32 v13, v0;
	vm3 =	vlt.s32 v13, v1;
	vm4 =	vge.s32 v16, v0  }
0xf1: {  	vm5 =	vge.s32 v17, v0;
	vm8 =	vlt.s32 v17, v1;
	vm9 =	vge.s32 v44, v0  }
0xf2: {  	vm10 =	vlt.s32 v44, v1;
	vm15 =	vge.s32 v45, v0;
	v14 =	vnsel vm7, $0x0, v46  }
0xf3: {  	vm6 =	vlt.s32 v45, v1;
	vm11 =	vge.s32 v19, v0;
	v18 =	vsub.s32 v45, v0  }
0xf4: {  	vm12 =	vlt.s32 v19, v1;
	v12 =	vsub.s32 v12, v0;
	vm6 =	vmand vm15, vm6  }
0xf5: {  	v13 =	vsub.s32 v13, v0;
	vm0 =	vmand vm2, vm13;
	v18 =	vnsel vm6, $0x0, v18  }
0xf6: {  	vm2 =	vlt.s32 v16, v1;
	vm1 =	vmand vm14, vm3;
	v12 =	vnsel vm0, $0x0, v12  }
0xf7: {  	v16 =	vsub.s32 v16, v0;
	vm4 =	vmand vm4, vm2;
	v13 =	vnsel vm1, $0x0, v13;
	v14 =	vld.idx.msk [tilespmem:v14+s26+$0x0], $0xffff  }
0xf8: {  	v17 =	vsub.s32 v17, v0;
	vm5 =	vmand vm5, vm8;
	v16 =	vnsel vm4, $0x0, v16  }
0xf9: {  	s5 =	sadd.s32 $0x80, s8;
	v15 =	vsub.s32 v44, v0;
	vm3 =	vmand vm9, vm10;
	v17 =	vnsel vm5, $0x0, v17  }
0xfa: {  	s7 =	sadd.s32 $0x70, s5;
	v19 =	vsub.s32 v19, v0;
	vm2 =	vmand vm11, vm12;
	v15 =	vnsel vm3, $0x0, v15;
	v18 =	vld.idx.msk [tilespmem:v18+s26+$0x0], $0xffff  }
0xfb: {  	v20, _, _ =	vpop (xrf0);
	v21 =	vor.u32 s7, v3;
	v47 =	vnsel vm2, $0x0, v19;
	v12 =	vld.idx.msk [tilespmem:v12+s26+$0x0], $0xffff  }
0xfc: {  	s16 =	sadd.s32 $0x10, s5;
	s8 =	sadd.s32 $0x20, s5;
	v27 =	vor.u32 s5, v3;
	(v2sf) =	vpush v20, $0xF;
	v13 =	vld.idx.msk [tilespmem:v13+s26+$0x0], $0xffff;
	vm12 =	vne.s32 v14, v21  }
0xfd: {  	s18 =	sadd.s32 $0x30, s5;
	s10 =	sadd.s32 $0x40, s5;
	v48 =	vor.u32 s16, v3;
	v49 =	vor.u32 s8, v3;
	v16 =	vld.idx.msk [tilespmem:v16+s26+$0x0], $0xffff;
	vm7 =	vmand vm7, vm12  }
0xfe: {  	v50, _, _ =	vpop (xrf0);
	s8 =	sadd.s32 $0x50, s5;
	v23 =	vor.u32 s18, v3;
	v24 =	vor.u32 s10, v3;
	v17 =	vld.idx.msk [tilespmem:v17+s26+$0x0], $0xffff;
	v22 =	vsel vm7, $0x80000001, v4  }
0xff: {  	s10 =	sadd.s32 $0x60, s5;
	v26 =	vor.u32 s8, v3;
	(v2sf) =	vpush v50, $0xF;
	v15 =	vld.idx.msk [tilespmem:v15+s26+$0x0], $0xffff;
	vm13 =	vne.s32 v18, v27;
	(xrf0) =	vmax.scan.msk.u32 $0xffff, v22  }
0x100: {  	v52 =	vor.u32 s10, v3;
	v14 =	vld.idx.msk [tilespmem:v47+s26+$0x0], $0xffff;
	vm14 =	vne.s32 v12, v48;
	vm6 =	vmand vm6, vm13  }
0x101: {  	vm15 =	vne.s32 v13, v49;
	vm0 =	vmand vm0, vm14;
	v53 =	vsel vm6, $0x80000001, v4  }
0x102: {  	vm7 =	vmand vm1, vm15;
	vm8 =	vne.s32 v16, v23;
	v54 =	vsel vm0, $0x80000001, v4;
	(xrf0) =	vmax.scan.msk.u32 $0xffff, v53  }
0x103: {  	v25, _, _ =	vpop (xrf0);
	vm10 =	vne.s32 v17, v24;
	v55 =	vsel vm7, $0x80000001, v4;
	vm9 =	vmand vm4, vm8;
	(xrf0) =	vmax.scan.msk.u32 $0xffff, v54  }
0x104: {  	v51, _, _ =	vpop (xrf0);
	vm12 =	vne.s32 v15, v26;
	vm11 =	vmand vm5, vm10;
	v56 =	vsel vm9, $0x80000001, v4;
	(xrf0) =	vmax.scan.msk.u32 $0xffff, v55  }
0x105: {  	vm13 =	vmand vm3, vm12;
	v58 =	vsel vm11, $0x80000001, v4;
	vm14 =	vne.s32 v14, v52;
	v57, _, _ =	vpop (xrf0);
	(xrf0) =	vmax.scan.msk.u32 $0xffff, v56  }
0x106: {  	(v2sf) =	vpush v25, $0xF;
	v59 =	vsel vm13, $0x80000001, v4;
	vm15 =	vmand vm2, vm14;
	(xrf0) =	vmax.scan.msk.u32 $0xffff, v58  }
0x107: {  	s11 =	spop (v2sf);
	v6 =	vand.u32 $0xFFFFFFF9, v6;
	(v2sf) =	vpush v51, $0xF;
	v60 =	vsel vm15, $0x80000001, v4;
	(xrf0) =	vmax.scan.msk.u32 $0xffff, v59  }
0x108: {  	v7 =	vand.u32 $0xFFFFFFFA, v7;
	v11 =	vand.u32 $0xFFFFFFFB, v11;
	s13 =	spop (v2sf);
	(v2sf) =	vpush v57, $0xF;
	v61, _, _ =	vpop (xrf0);
	(xrf0) =	vmax.scan.msk.u32 $0xffff, v60  }
0x109: {  	s15 =	sxor.u32 $0x80000000, s12;
	v37 =	vmov s22;
	v6 =	vbroadcast v6, $0x0;
	s14 =	spop (v2sf);
	(v2sf) =	vpush v61, $0xF;
	v62, _, _ =	vpop (xrf0)  }
0x10a: {  	v7 =	vbroadcast v7, $0x0;
	v63 =	vmov s15;
	s15 =	sadd.s32 $0x5, s3;
	s16 =	spop (v2sf);
	v24, _, _ =	vpop (xrf0);
	(v2sf) =	vpush v62, $0xF  }
0x10b: {  	v11 =	vbroadcast v11, $0x0;
	s5 =	sxor.u32 $0x80000000, s11;
	s7 =	sxor.u32 $0x80000000, s13;
	v41 =	vmov s15;
	s11 =	spop (v2sf);
	(v2sf) =	vpush v24, $0xF;
	v27, _, _ =	vpop (xrf0)  }
0x10c: {  	s13 =	sadd.s32 $0x4, s3;
	[tilespmem:v8+s28+$0x0] =	vst.idx.msk $0x1, v63;
	v8 =	vand.u32 $0xFFFFFFF8, v37;
	v28 =	vmov s7;
	s9 =	spop (v2sf);
	v30, _, _ =	vpop (xrf0);
	(v2sf) =	vpush v27, $0xF  }
0x10d: {  	v38 =	vmov s13;
	v43 =	vand.u32 $0xFFFFFFFD, v41;
	v33, _, _ =	vpop (xrf0);
	(v2sf) =	vpush v30, $0xF  }
0x10e: {  	v25 =	vmov s5;
	v40 =	vand.u32 $0xFFFFFFFC, v38;
	s8 =	sxor.u32 $0x80000000, s14;
	s14 =	sadd.s32 $0x1, s22;
	v36, _, _ =	vpop (xrf0);
	(v2sf) =	vpush v33, $0xF  }
0x10f: {  	v42 =	vbroadcast v40, $0x0;
	v39 =	vmov s14;
	s14 =	sadd.s32 $0x4, s22;
	s12 =	spop (v2sf);
	(v2sf) =	vpush v36, $0xF  }
0x110: {  	s18 =	sadd.s32 $0x7, s3;
	[tilespmem:v10+s28+$0x0] =	vst.idx.msk $0x1, v28;
	v29 =	vmov s8;
	v46 =	vand.u32 $0xFFFFFFF9, v39;
	v51 =	vmov s14;
	s10 =	sxor.u32 $0x80000000, s16;
	s16 =	sadd.s32 $0x6, s3  }
0x111: {  	[tilespmem:v9+s28+$0x0] =	vst.idx.msk $0x1, v25;
	s11 =	sxor.u32 $0x80000000, s11;
	v31 =	vmov s10;
	v44 =	vmov s16;
	v26 =	vmov s18  }
0x112: {  	s7 =	sadd.s32 $0x2, s22;
	s8 =	sxor.u32 $0x80000000, s9;
	v32 =	vmov s11;
	v12 =	vbroadcast v43, $0x0;
	v13 =	vand.u32 $0xFFFFFFFE, v44;
	[tilespmem:v5+s28+$0x0] =	vst.idx.msk $0x1, v31  }
0x113: {  	v5 =	vmov s7;
	s9 =	sxor.u32 $0x80000000, s12;
	v34 =	vmov s8;
	s18 =	spop (v2sf);
	v13 =	vbroadcast v13, $0x0;
	[tilespmem:v6+s28+$0x0] =	vst.idx.msk $0x1, v32  }
0x114: {  	s11 =	sadd.s32 $0x7, s22;
	s8 =	sadd.s32 $0x3, s22;
	v6 =	vbroadcast v8, $0x0;
	v5 =	vand.u32 $0xFFFFFFFA, v5;
	v35 =	vmov s9;
	[tilespmem:v7+s28+$0x0] =	vst.idx.msk $0x1, v34;
	s3 =	sxor.u32 $0x80000000, s18  }
0x115: {  	v47 =	vmov s11;
	s9 =	spop (v2sf);
	v45 =	vmov s8;
	[tilespmem:v11+s28+$0x0] =	vst.idx.msk $0x1, v35;
	v48 =	vmov s3  }
0x116: {  	v8 =	vbroadcast v46, $0x0;
	v5 =	vbroadcast v5, $0x0;
	s10 =	spop (v2sf);
	v7 =	vand.u32 $0xFFFFFFFB, v45;
	s13 =	sxor.u32 $0x80000000, s9;
	[tilespmem:v42+s28+$0x0] =	vst.idx.msk $0x1, v48  }
0x117: {  	s16 =	sadd.s32 $0x5, s22;
	v53 =	vand.u32 $0xFFFFFFFC, v51;
	v7 =	vbroadcast v7, $0x0;
	s5 =	sxor.u32 $0x80000000, s10;
	v49 =	vmov s13;
	[tilespmem:v26+s28+$0x0] =	vst.idx.msk $0x1, v29;
	s12 =	spop (v2sf)  }
0x118: {  	v54 =	vmov s16;
	v50 =	vmov s5;
	s5 =	sadd.s32 $0x6, s22;
	v55 =	vbroadcast v53, $0x0;
	[tilespmem:v12+s28+$0x0] =	vst.idx.msk $0x1, v49;
	s15 =	sxor.u32 $0x80000000, s12;
	s18 =	spop (v2sf)  }
0x119: {  	[tilespmem:v13+s28+$0x0] =	vst.idx.msk $0x1, v50;
	v56 =	vand.u32 $0xFFFFFFFD, v54;
	v57 =	vmov s5;
	v52 =	vmov s15;
	s8 =	spop (v2sf);
	s7 =	sxor.u32 $0x80000000, s18  }
0x11a: {  	v59 =	vbroadcast v56, $0x0;
	v60 =	vand.u32 $0xFFFFFFFE, v57;
	[tilespmem:v47+s28+$0x0] =	vst.idx.msk $0x1, v52;
	s9 =	sxor.u32 $0x80000000, s8;
	s10 =	spop (v2sf);
	v58 =	vmov s7  }
0x11b: {  	s5 =	sxor.u32 $0x80000000, s10;
	v61 =	vmov s9;
	[tilespmem:v6+s28+$0x0] =	vst.idx.msk $0x1, v58;
	v6 =	vbroadcast v60, $0x0;
	s11 =	spop (v2sf)  }
0x11c: {  	v62 =	vmov s5;
	[tilespmem:v8+s28+$0x0] =	vst.idx.msk $0x1, v61;
	s12 =	sxor.u32 $0x80000000, s11;
	s13 =	spop (v2sf)  }
.Ltmp5:
0x11d: {  	[tilespmem:v5+s28+$0x0] =	vst.idx.msk $0x1, v62;
	v63 =	vmov s12;
	s14 =	sxor.u32 $0x80000000, s13;
	s15 =	spop (v2sf);
	(pc) =	sbr.rel .LBB2_8-.Ltmp5, $4  }
0x11e: {  	[tilespmem:v7+s28+$0x0] =	vst.idx.msk $0x1, v63;
	v5 =	vmov s14;
	s16 =	sxor.u32 $0x80000000, s15;
	s18 =	spop (v2sf)  }
0x11f: {  	[tilespmem:v55+s28+$0x0] =	vst.idx.msk $0x1, v5;
	v5 =	vmov s16;
	s22 =	sxor.u32 $0x80000000, s18  }
0x120: {  	v7 =	vmov s22;
	[tilespmem:v59+s28+$0x0] =	vst.idx.msk $0x1, v5  }
0x121: {  	s3 =	simm.s32 $0x0;
	[tilespmem:v6+s28+$0x0] =	vst.idx.msk $0x1, v7  }
.LBB2_15:
0x122: {  	s3 =	sadd.s32 $0x1, s3  }
0x123: {  	p0 =	sne.s32 s3, $0x40  }
.Ltmp6:
0x124: {  	_ = 	snop;
	(pc) =	sbr.rel @!p0 .LBB2_16-.Ltmp6, $2  }
0x125: {  	_ =	sdelay $0x2  }
0x126: {  	s1 =	sadd.s32 $0x100, s1  }
.LBB2_8:
0x127: {  	s8 =	sshll.u32 s3, $0x4  }
0x128: {  	v5 =	vld [tilespmem:s8+$0x15500];
	_ =	sdelay $0x4  }
0x129: {  	v5 =	vxor.u32 $0x80000000, v5  }
0x12a: {  	(xrf0) =	vmax.scan.msk.u32 $0xffff, v5;
	_ =	sdelay $0x5  }
0x12b: {  	v6, _, _ =	vpop (xrf0)  }
0x12c: {  	(v2sf) =	vpush v6, $0xF;
	_ =	sdelay $0xe  }
0x12d: {  	s5 =	spop (v2sf)  }
0x12e: {  	p0 =	sgt.s32 s5, $0xFFFFFFFF  }
.Ltmp7:
0x12f: {  	_ = 	snop;
	(pc) =	sbr.rel @p0 .LBB2_15-.Ltmp7, $1  }
0x130: {  	_ =	sdelay $0x3  }
.Ltmp8:
0x131: {  	(pc) =	sbr.rel .LBB2_10-.Ltmp8, $2  }
0x132: {  	_ =	sdelay $0x2  }
0x133: {  	s9 =	simm.s32 $0x0;
	s11 =	smov.u32 s1  }
.LBB2_14:
0x134: {  	s9 =	sadd.s32 $0x1, s9  }
0x135: {  	p0 =	sne.s32 s9, $0x10  }
.Ltmp9:
0x136: {  	_ = 	snop;
	(pc) =	sbr.rel @!p0 .LBB2_15-.Ltmp9, $2  }
0x137: {  	_ =	sdelay $0x2  }
0x138: {  	s11 =	sadd.s32 $0x10, s11  }
.LBB2_10:
0x139: {  	v6 =	vmov s9  }
0x13a: {  	vm0 =	veq.s32 v6, v3  }
0x13b: {  	v6 =	vnsel vm0, $0x7FFFFFFF, v5  }
0x13c: {  	(xrf0) =	vmax.scan.msk.u32 $0xffff, v6;
	_ =	sdelay $0x5  }
0x13d: {  	v6, _, _ =	vpop (xrf0)  }
0x13e: {  	(v2sf) =	vpush v6, $0xF;
	_ =	sdelay $0xe  }
0x13f: {  	s5 =	spop (v2sf)  }
0x140: {  	p0 =	sgt.s32 s5, $0xFFFFFFFF  }
.Ltmp10:
0x141: {  	_ = 	snop;
	(pc) =	sbr.rel @p0 .LBB2_14-.Ltmp10, $1  }
0x142: {  	_ =	sdelay $0x3  }
0x143: {  	s5 =	sor.u32 s8, s9  }
0x144: {  	s5 =	sshll.u32 s5, $0x4  }
0x145: {  	v6 =	vld [tilespmem:s5+$0x11500];
	_ =	sdelay $0x4  }
0x146: {  	vm0 =	vge.s32 v6, v0;
	vm1 =	vlt.s32 v6, v1  }
0x147: {  	v6 =	vsub.s32 v6, v0;
	vm0 =	vmand vm0, vm1  }
0x148: {  	v6 =	vnsel vm0, $0x0, v6;
	_ =	sdelay $0x4  }
0x149: {  	v7 =	vld.idx.msk [tilespmem:v6+s26+$0x0], $0xffff;
	_ =	sdelay $0x3  }
0x14a: {  	s22 =	simm.s32 $0x0;
	v8 =	vor.u32 s5, v3  }
0x14b: {  	vm1 =	vne.s32 v7, v8;
	v7 =	vmov s22  }
0x14c: {  	vm0 =	vmand vm0, vm1;
	vm1 =	veq.s32 v7, v3  }
0x14d: {  	vm1 =	vmand vm1, vm0  }
0x14e: {  	v8 =	vsel vm1, $0x80000001, v4  }
0x14f: {  	(xrf0) =	vmax.scan.msk.u32 $0xffff, v8;
	_ =	sdelay $0x5  }
0x150: {  	v8, _, _ =	vpop (xrf0)  }
0x151: {  	(v2sf) =	vpush v8, $0xF;
	_ =	sdelay $0xe  }
0x152: {  	s16 =	spop (v2sf)  }
0x153: {  	p0 =	sgt.s32 s16, $0xFFFFFFFF  }
0x154: {  	v8 =	vlaneseq.u32 @!p0  }
0x155: {  	v6 =	vxor.u32 $0x80000000, v6;
	vm1 =	veq.s32 @!p0 v7, v8  }
0x156: {  	v7 =	vnsel @!p0 vm1, $0x7FFFFFFF, v6  }
0x157: {  	(xrf0) =	vmax.scan.msk.u32 @!p0 $0xffff, v7;
	_ =	sdelay $0x1  }
0x158: {  	s12 =	simm.s32 $0x1  }
0x159: {  	v8 =	vmov s12  }
0x15a: {  	vm1 =	veq.s32 v8, v3  }
0x15b: {  	vm1 =	vmand vm1, vm0  }
0x15c: {  	v9 =	vsel vm1, $0x80000001, v4;
	v7, _, _ =	vpop @!p0 (xrf0)  }
0x15d: {  	(xrf0) =	vmax.scan.msk.u32 $0xffff, v9;
	(v2sf) =	vpush @!p0 v7, $0xF;
	_ =	sdelay $0x5  }
0x15e: {  	v7, _, _ =	vpop (xrf0)  }
0x15f: {  	(v2sf) =	vpush v7, $0xF;
	_ =	sdelay $0x7  }
0x160: {  	s5 =	spop @!p0 (v2sf)  }
0x161: {  	s5 =	sxor.u32 @!p0 $0x80000000, s5  }
0x162: {  	v7 =	vmov @!p0 s5;
	_ =	sdelay $0x3  }
0x163: {  	s13 =	simm.s32 @!p0 $0x2000;
	p1 =	por p0, p0  }
0x164: {  	s18 =	spop (v2sf);
	v9 =	vld.idx.msk @!p1 [tilespmem:v7+s13+$0x0], $0xffff  }
0x165: {  	p3 =	sgt.s32 s18, $0xFFFFFFFF  }
0x166: {  	v10 =	vlaneseq.u32 @!p3  }
0x167: {  	vm1 =	veq.s32 @!p3 v8, v10  }
0x168: {  	v8 =	vnsel @!p3 vm1, $0x7FFFFFFF, v6  }
0x169: {  	(xrf0) =	vmax.scan.msk.u32 @!p3 $0xffff, v8;
	v8 =	vxor.u32 @!p1 $0x80000000, v9  }
0x16a: {  	s14 =	simm.s32 $0x2;
	(xrf0) =	vmax.scan.msk.u32 @!p1 $0xffff, v8  }
.LBB2_12:
0x16b: {  	_ =	sdelay $0x1  }
0x16c: {  	p4 =	por p0, p0;
	p0 =	por p3, p3  }
0x16d: {  	v8 =	vmov s14;
	s5 =	smov.u32 s14  }
0x16e: {  	s14 =	sadd.s32 $0x1, s14;
	vm1 =	veq.s32 v8, v3;
	v9, _, _ =	vpop @!p3 (xrf0)  }
0x16f: {  	p2 =	sne.s32 s14, $0x10;
	vm1 =	vmand vm1, vm0;
	(v2sf) =	vpush @!p3 v9, $0xF;
	v9, _, _ =	vpop @!p4 (xrf0)  }
0x170: {  	v10 =	vsel vm1, $0x80000001, v4;
	(v2sf) =	vpush @!p1 v9, $0xF  }
0x171: {  	(xrf0) =	vmax.scan.msk.u32 $0xffff, v10;
	_ =	sdelay $0x5  }
0x172: {  	v9, _, _ =	vpop (xrf0)  }
0x173: {  	(v2sf) =	vpush v9, $0xF;
	_ =	sdelay $0x5  }
0x174: {  	s7 =	spop @!p3 (v2sf)  }
0x175: {  	s10 =	spop @!p4 (v2sf)  }
0x176: {  	s15 =	sadd.s32 @!p1 s22, s11;
	s7 =	sxor.u32 @!p3 $0x80000000, s7;
	s10 =	sxor.u32 @!p1 $0x80000000, s10  }
0x177: {  	s22 =	smov.u32 s12;
	s12 =	smov.u32 s5;
	v9 =	vmov @!p3 s7;
	p3 =	sgt.s32 @!p1 s10, s15  }
0x178: {  	p3 =	por !p3, p1  }
0x179: {  	s10 =	smov.u32 @p3 s15  }
0x17a: {  	v10 =	vmov @!p1 s10  }
0x17b: {  	[tilespmem:v7+s13+$0x0] =	vst.idx.msk @!p1 $0x1, v10;
	s13 =	simm.s32 @!p0 $0x2000;
	v7 =	vmov v9;
	p1 =	por p0, p0  }
0x17c: {  	v9 =	vld.idx.msk @!p1 [tilespmem:v9+s13+$0x0], $0xffff  }
0x17d: {  	s5 =	spop (v2sf)  }
0x17e: {  	p3 =	sgt.s32 s5, $0xFFFFFFFF  }
.Ltmp11:
0x17f: {  	v10 =	vlaneseq.u32 @!p3;
	(pc) =	sbr.rel @p2 .LBB2_12-.Ltmp11, $4  }
0x180: {  	vm1 =	veq.s32 @!p3 v8, v10  }
0x181: {  	v8 =	vnsel @!p3 vm1, $0x7FFFFFFF, v6  }
0x182: {  	(xrf0) =	vmax.scan.msk.u32 @!p3 $0xffff, v8;
	v8 =	vxor.u32 @!p1 $0x80000000, v9  }
0x183: {  	(xrf0) =	vmax.scan.msk.u32 @!p1 $0xffff, v8  }
0x184: {  	_ =	sdelay $0x3  }
0x185: {  	v6, _, _ =	vpop @!p3 (xrf0)  }
0x186: {  	(v2sf) =	vpush @!p3 v6, $0xF;
	v6, _, _ =	vpop @!p0 (xrf0)  }
0x187: {  	(v2sf) =	vpush @!p1 v6, $0xF;
	_ =	sdelay $0xd  }
0x188: {  	s5 =	spop @!p3 (v2sf)  }
0x189: {  	s7 =	spop @!p0 (v2sf)  }
0x18a: {  	s10 =	sadd.s32 @!p1 s22, s11;
	s5 =	sxor.u32 @!p3 $0x80000000, s5;
	s7 =	sxor.u32 @!p1 $0x80000000, s7  }
0x18b: {  	v6 =	vmov @!p3 s5;
	p0 =	sgt.s32 @!p1 s7, s10  }
0x18c: {  	p0 =	por !p0, p1  }
0x18d: {  	s7 =	smov.u32 @p0 s10  }
0x18e: {  	v8 =	vmov @!p1 s7  }
0x18f: {  	s5 =	simm.s32 @!p3 $0x2000;
	p0 =	por p3, p3;
	[tilespmem:v7+s13+$0x0] =	vst.idx.msk @!p1 $0x1, v8  }
0x190: {  	v7 =	vld.idx.msk @!p0 [tilespmem:v6+s5+$0x0], $0xffff;
	_ =	sdelay $0x4  }
0x191: {  	v7 =	vxor.u32 @!p0 $0x80000000, v7  }
0x192: {  	(xrf0) =	vmax.scan.msk.u32 @!p0 $0xffff, v7;
	_ =	sdelay $0x5  }
0x193: {  	v7, _, _ =	vpop @!p3 (xrf0)  }
0x194: {  	(v2sf) =	vpush @!p0 v7, $0xF;
	_ =	sdelay $0xe  }
0x195: {  	s7 =	spop @!p3 (v2sf)  }
0x196: {  	s10 =	sadd.s32 @!p0 s12, s11;
	s7 =	sxor.u32 @!p0 $0x80000000, s7  }
.Ltmp12:
0x197: {  	p1 =	sgt.s32 @!p0 s7, s10;
	(pc) =	sbr.rel .LBB2_14-.Ltmp12, $4  }
0x198: {  	p1 =	por !p1, p0  }
0x199: {  	s7 =	smov.u32 @p1 s10  }
0x19a: {  	v7 =	vmov @!p0 s7  }
0x19b: {  	[tilespmem:v6+s5+$0x0] =	vst.idx.msk @!p0 $0x1, v7  }
.LBB2_16:
0x19c: {  	s1 =	simm.s32 $0x40  }
0x19d: {  	v5 =	vld [tilespmem:s1+$0xFFFFFFC0]  }
0x19e: {  	v6 =	vld [tilespmem:s1+$0x20]  }
0x19f: {  	v7 =	vld [tilespmem:s1+$0x0]  }
0x1a0: {  	v8 =	vld [tilespmem:s1+$0xFFFFFFF0]  }
0x1a1: {  	s3 =	simm.s32 $0x0;
	s5 =	simm.s32 $0x3;
	v9 =	vld [tilespmem:s1+$0xFFFFFFD0]  }
0x1a2: {  	s22 =	simm.s32 $0x4;
	s7 =	simm.s32 $0x6;
	s10 =	simm.s32 $0x1;
	v10 =	vmov s3;
	v11 =	vld [tilespmem:s1+$0x30];
	v12 =	vmov s5  }
0x1a3: {  	s12 =	simm.s32 $0xB;
	v13 =	vmov s22;
	v14 =	vmov s7;
	v20 =	vmov s10  }
0x1a4: {  	v26 =	vmov s12;
	vm0 =	vge.s32 v5, v0;
	vm2 =	vlt.s32 v5, v1  }
0x1a5: {  	vm3 =	vlt.s32 v7, v1;
	v16 =	vsub.s32 v7, v0;
	vm1 =	vge.s32 v6, v0  }
0x1a6: {  	v15 =	vld [tilespmem:s1+$0x10];
	vm4 =	vlt.s32 v6, v1;
	vm5 =	vge.s32 v9, v0;
	vm8 =	vge.s32 v8, v0  }
0x1a7: {  	v6 =	vsub.s32 v6, v0;
	vm15 =	vlt.s32 v11, v1;
	vm6 =	vge.s32 v11, v0  }
0x1a8: {  	v11 =	vsub.s32 v11, v0;
	vm9 =	vge.s32 v7, v0;
	v5 =	vsub.s32 v5, v0  }
0x1a9: {  	vm13 =	vlt.s32 v8, v1;
	v8 =	vsub.s32 v8, v0;
	vm7 =	vmand vm6, vm15  }
0x1aa: {  	vm1 =	vmand vm1, vm4;
	vm12 =	vmand vm9, vm3;
	v7 =	vnsel vm7, $0x0, v11;
	v11 =	vld [tilespmem:s1+$0xFFFFFFE0]  }
0x1ab: {  	vm3 =	vge.s32 v15, v0;
	vm2 =	vmand vm0, vm2;
	v16 =	vnsel vm12, $0x0, v16  }
0x1ac: {  	s11 =	simm.s32 $0xC0;
	vm0 =	vlt.s32 v15, v1;
	vm4 =	vmand vm8, vm13;
	v6 =	vnsel vm1, $0x0, v6  }
0x1ad: {  	v27 =	vld [tilespmem:s11+$0x30];
	v5 =	vnsel vm2, $0x0, v5;
	vm0 =	vmand vm3, vm0;
	vm3 =	vlt.s32 v9, v1  }
0x1ae: {  	v29 =	vld [tilespmem:s11+$0x20];
	v9 =	vsub.s32 v9, v0;
	v8 =	vnsel vm4, $0x0, v8;
	vm3 =	vmand vm5, vm3  }
0x1af: {  	s15 =	simm.s32 $0x7;
	v17 =	vnsel vm3, $0x0, v9;
	v7 =	vld.idx.msk [tilespmem:v7+s26+$0x0], $0xffff;
	vm14 =	vge.s32 v11, v0;
	vm15 =	vlt.s32 v11, v1  }
0x1b0: {  	v33 =	vmov s15;
	v11 =	vsub.s32 v11, v0;
	v16 =	vld.idx.msk [tilespmem:v16+s26+$0x0], $0xffff;
	vm5 =	vmand vm14, vm15  }
0x1b1: {  	v18 =	vand.u32 $0xFFFFFFF8, v10;
	v19 =	vand.u32 $0xFFFFFFFB, v12;
	v6 =	vld.idx.msk [tilespmem:v6+s26+$0x0], $0xffff;
	v10 =	vnsel vm5, $0x0, v11  }
0x1b2: {  	v13 =	vand.u32 $0xFFFFFFFC, v13;
	v14 =	vand.u32 $0xFFFFFFFE, v14;
	v19 =	vbroadcast v19, $0x0;
	v5 =	vld.idx.msk [tilespmem:v5+s26+$0x0], $0xffff  }
0x1b3: {  	v18 =	vbroadcast v18, $0x0;
	v13 =	vbroadcast v13, $0x0;
	v15 =	vsub.s32 v15, v0;
	v8 =	vld.idx.msk [tilespmem:v8+s26+$0x0], $0xffff  }
0x1b4: {  	v54 =	vsub.s32 v29, v0;
	v15 =	vnsel vm0, $0x0, v15;
	v17 =	vld.idx.msk [tilespmem:v17+s26+$0x0], $0xffff;
	v12 =	vshra.s32 v7, $0x1F  }
0x1b5: {  	v21 =	vshra.s32 v16, $0x1F;
	v7 =	vor.u32 v12, v7;
	v12 =	vand.u32 $0xFFFFFFF9, v20  }
0x1b6: {  	s8 =	simm.s32 $0x2;
	v20 =	vshra.s32 v6, $0x1F;
	v22 =	vnsel vm7, $0xFFFFFFFF, v7;
	v7 =	vor.u32 v21, v16;
	v16 =	vld.idx.msk [tilespmem:v10+s26+$0x0], $0xffff  }
0x1b7: {  	vm13 =	vlt.s32 v27, v1;
	v9 =	vmov s8;
	v6 =	vor.u32 v20, v6  }
0x1b8: {  	v21 =	vshra.s32 v8, $0x1F;
	v10 =	vxor.u32 $0x80000000, v22;
	v20 =	vnsel vm12, $0xFFFFFFFF, v7  }
0x1b9: {  	v15 =	vld.idx.msk [tilespmem:v15+s26+$0x0], $0xffff;
	v24 =	vnsel vm1, $0xFFFFFFFF, v6;
	v6 =	vshra.s32 v17, $0x1F;
	(xrf0) =	vmax.scan.msk.u32 $0xffff, v10;
	v10 =	vshra.s32 v5, $0x1F  }
0x1ba: {  	v32 =	vld [tilespmem:s11+$0xFFFFFFD0];
	v8 =	vor.u32 v21, v8;
	v23 =	vxor.u32 $0x80000000, v20;
	v5 =	vor.u32 v10, v5  }
0x1bb: {  	v6 =	vor.u32 v6, v17;
	v17 =	vnsel vm2, $0xFFFFFFFF, v5;
	v5 =	vshra.s32 v16, $0x1F  }
0x1bc: {  	v10 =	vbroadcast v14, $0x0;
	(xrf0) =	vmax.scan.msk.u32 $0xffff, v23;
	v14 =	vxor.u32 $0x80000000, v24;
	v5 =	vor.u32 v5, v16  }
0x1bd: {  	v28 =	vld [tilespmem:s11+$0x0];
	v9 =	vand.u32 $0xFFFFFFFA, v9;
	v8 =	vnsel vm4, $0xFFFFFFFF, v8;
	(xrf0) =	vmax.scan.msk.u32 $0xffff, v14;
	v14 =	vxor.u32 $0x80000000, v17  }
0x1be: {  	v53 =	vld [tilespmem:s11+$0x10];
	vm14 =	vge.s32 v27, v0;
	v7 =	vshra.s32 v15, $0x1F;
	v16 =	vxor.u32 $0x80000000, v8;
	(xrf0) =	vmax.scan.msk.u32 $0xffff, v14  }
0x1bf: {  	v30 =	vld [tilespmem:s11+$0xFFFFFFF0];
	s1 =	simm.s32 $0x8;
	vm15 =	vge.s32 v32, v0;
	v7 =	vor.u32 v7, v15;
	v21 =	vnsel vm5, $0xFFFFFFFF, v5;
	v5, _, _ =	vpop (xrf0);
	(xrf0) =	vmax.scan.msk.u32 $0xffff, v16  }
0x1c0: {  	s9 =	simm.s32 $0x5;
	v27 =	vsub.s32 v27, v0;
	(v2sf) =	vpush v5, $0xF;
	v5 =	vmov s1  }
0x1c1: {  	v11 =	vmov s9;
	v15 =	vld [tilespmem:s11+$0xFFFFFFC0];
	v23 =	vnsel vm3, $0xFFFFFFFF, v6;
	v6 =	vxor.u32 $0x80000000, v21  }
0x1c2: {  	v11 =	vand.u32 $0xFFFFFFFD, v11;
	vm7 =	vmand vm14, vm13;
	v25 =	vnsel vm0, $0xFFFFFFFF, v7;
	v7, _, _ =	vpop (xrf0);
	(xrf0) =	vmax.scan.msk.u32 $0xffff, v6  }
0x1c3: {  	vm13 =	vlt.s32 v53, v1;
	(v2sf) =	vpush v7, $0xF;
	v6 =	vand.u32 $0xFFFFFFF8, v5;
	v5, _, _ =	vpop (xrf0)  }
0x1c4: {  	vm14 =	vlt.s32 v30, v1;
	vm4 =	vge.s32 v28, v0;
	(v2sf) =	vpush v5, $0xF;
	v31, _, _ =	vpop (xrf0)  }
0x1c5: {  	vm3 =	vlt.s32 v28, v1;
	v50 =	vxor.u32 $0x80000000, v23;
	(v2sf) =	vpush v31, $0xF;
	v51, _, _ =	vpop (xrf0)  }
0x1c6: {  	s16 =	simm.s32 $0x15540;
	vm0 =	vge.s32 v15, v0;
	vm2 =	vlt.s32 v15, v1;
	(v2sf) =	vpush v51, $0xF  }
0x1c7: {  	[tilespmem:s16+$0x30] =	vst v22;
	vm4 =	vmand vm4, vm3;
	vm2 =	vmand vm0, vm2;
	vm0 =	vlt.s32 v32, v1  }
0x1c8: {  	[tilespmem:s16+$0xFFFFFFC0] =	vst v17;
	v16 =	vxor.u32 $0x80000000, v25;
	vm3 =	vmand vm15, vm0;
	vm0 =	vge.s32 v53, v0;
	v52, _, _ =	vpop (xrf0)  }
0x1c9: {  	v22 =	vld [tilespmem:s11+$0xFFFFFFE0];
	v17 =	vsub.s32 v53, v0;
	vm5 =	vmand vm0, vm13;
	(xrf0) =	vmax.scan.msk.u32 $0xffff, v16;
	(v2sf) =	vpush v52, $0xF  }
0x1ca: {  	vm1 =	vge.s32 v29, v0;
	vm12 =	vlt.s32 v29, v1;
	v17 =	vnsel vm5, $0x0, v17;
	(xrf0) =	vmax.scan.msk.u32 $0xffff, v50  }
0x1cb: {  	v27 =	vnsel vm7, $0x0, v27;
	vm1 =	vmand vm1, vm12;
	vm12 =	vge.s32 v30, v0  }
0x1cc: {  	s14 =	simm.s32 $0xE;
	[tilespmem:s16+$0x0] =	vst v20;
	v20 =	vsub.s32 v32, v0;
	v28 =	vsub.s32 v28, v0;
	v55 =	vnsel vm1, $0x0, v54  }
0x1cd: {  	vm6 =	vmand vm12, vm14;
	v28 =	vnsel vm4, $0x0, v28;
	v14 =	vmov s14  }
0x1ce: {  	[tilespmem:s16+$0xFFFFFFF0] =	vst v8;
	v8 =	vsub.s32 v22, v0;
	v14 =	vand.u32 $0xFFFFFFFE, v14;
	v15 =	vsub.s32 v15, v0  }
0x1cf: {  	s13 =	simm.s32 $0xC;
	v15 =	vnsel vm2, $0x0, v15;
	vm15 =	vlt.s32 v22, v1;
	vm0 =	vge.s32 v22, v0;
	v17 =	vld.idx.msk [tilespmem:v17+s26+$0x0], $0xffff;
	v56, _, _ =	vpop (xrf0)  }
0x1d0: {  	[tilespmem:s16+$0xFFFFFFE0] =	vst v21;
	v7 =	vmov s13;
	v16 =	vsub.s32 v30, v0;
	v21, _, _ =	vpop (xrf0);
	(v2sf) =	vpush v56, $0xF  }
0x1d1: {  	v57 =	vld.idx.msk [tilespmem:v27+s26+$0x0], $0xffff;
	vm0 =	vmand vm0, vm15;
	v16 =	vnsel vm6, $0x0, v16;
	s18 =	spop (v2sf);
	(v2sf) =	vpush v21, $0xF  }
0x1d2: {  	s9 =	simm.s32 $0xA;
	[tilespmem:s16+$0xFFFFFFD0] =	vst v23;
	v20 =	vnsel vm3, $0x0, v20;
	s13 =	simm.s32 $0x9;
	v7 =	vand.u32 $0xFFFFFFFC, v7;
	v23 =	vnsel vm0, $0x0, v8;
	v21 =	vld.idx.msk [tilespmem:v55+s26+$0x0], $0xffff;
	s22 =	spop (v2sf)  }
0x1d3: {  	[tilespmem:s16+$0x20] =	vst v24;
	v58 =	vld.idx.msk [tilespmem:v28+s26+$0x0], $0xffff;
	v8 =	vmov s9;
	v61 =	vmov s13;
	v5 =	vand.u32 $0xFFFFFFFB, v26;
	s3 =	sxor.u32 $0x80000000, s18;
	s7 =	sxor.u32 $0x80000000, s22;
	s8 =	spop (v2sf)  }
0x1d4: {  	s10 =	simm.s32 $0xD;
	[tilespmem:s16+$0x10] =	vst v25;
	v63 =	vshra.s32 v17, $0x1F;
	v60 =	vmov s3;
	v22 =	vmov s7;
	s8 =	sxor.u32 $0x80000000, s8;
	s11 =	spop (v2sf)  }
0x1d5: {  	v15 =	vld.idx.msk [tilespmem:v15+s26+$0x0], $0xffff;
	[tilespmem:v13+s29+$0x0] =	vst.idx.msk $0x1, v22;
	v13 =	vmov s10;
	v22 =	vbroadcast v9, $0x0;
	v59 =	vmov s8;
	s3 =	sxor.u32 $0x80000000, s11;
	s12 =	spop (v2sf)  }
0x1d6: {  	v16 =	vld.idx.msk [tilespmem:v16+s26+$0x0], $0xffff;
	v9 =	vand.u32 $0xFFFFFFFD, v13;
	[tilespmem:v10+s29+$0x0] =	vst.idx.msk $0x1, v59;
	v10 =	vshra.s32 v57, $0x1F;
	v13 =	vmov s3;
	s14 =	sxor.u32 $0x80000000, s12  }
0x1d7: {  	v26 =	vor.u32 v10, v57;
	v62 =	vmov s14;
	[tilespmem:v18+s29+$0x0] =	vst.idx.msk $0x1, v13;
	v13 =	vshra.s32 v21, $0x1F  }
0x1d8: {  	s15 =	spop (v2sf);
	s3 =	simm.s32 $0x155C0;
	v18 =	vnsel vm7, $0xFFFFFFFF, v26;
	[tilespmem:v19+s29+$0x0] =	vst.idx.msk $0x1, v62;
	v19 =	vshra.s32 v58, $0x1F;
	v21 =	vor.u32 v13, v21  }
0x1d9: {  	v20 =	vld.idx.msk [tilespmem:v20+s26+$0x0], $0xffff;
	s16 =	sxor.u32 $0x80000000, s15;
	v13 =	vxor.u32 $0x80000000, v18;
	v19 =	vor.u32 v19, v58;
	[tilespmem:s3+$0x30] =	vst v18;
	v18 =	vbroadcast v11, $0x0  }
0x1da: {  	v11 =	vshra.s32 v15, $0x1F;
	(xrf0) =	vmax.scan.msk.u32 $0xffff, v13;
	v13 =	vbroadcast v12, $0x0;
	v12 =	vmov s16  }
0x1db: {  	v19 =	vnsel vm4, $0xFFFFFFFF, v19;
	v15 =	vor.u32 v11, v15;
	[tilespmem:v22+s29+$0x0] =	vst.idx.msk $0x1, v12;
	v12 =	vshra.s32 v16, $0x1F  }
0x1dc: {  	v11 =	vbroadcast v14, $0x0;
	v22 =	vxor.u32 $0x80000000, v19;
	v12 =	vor.u32 v12, v16  }
0x1dd: {  	[tilespmem:s3+$0x0] =	vst v19;
	v19 =	vnsel vm1, $0xFFFFFFFF, v21;
	v16 =	vnsel vm6, $0xFFFFFFFF, v12;
	v12 =	vor.u32 v63, v17  }
0x1de: {  	v14 =	vshra.s32 v20, $0x1F;
	(xrf0) =	vmax.scan.msk.u32 $0xffff, v22;
	v21 =	vxor.u32 $0x80000000, v19;
	[tilespmem:s3+$0x20] =	vst v19;
	v19 =	vld.idx.msk [tilespmem:v23+s26+$0x0], $0xffff  }
0x1df: {  	v8 =	vand.u32 $0xFFFFFFFA, v8;
	[tilespmem:v33+s29+$0x0] =	vst.idx.msk $0x1, v60;
	v14 =	vor.u32 v14, v20;
	v20 =	vnsel vm2, $0xFFFFFFFF, v15;
	s18 =	spop (v2sf)  }
0x1e0: {  	v10 =	vand.u32 $0xFFFFFFF9, v61;
	v14 =	vnsel vm3, $0xFFFFFFFF, v14;
	[tilespmem:s3+$0xFFFFFFC0] =	vst v20;
	s5 =	sxor.u32 $0x80000000, s18;
	v15 =	vnsel vm5, $0xFFFFFFFF, v12;
	s22 =	spop (v2sf);
	v12, _, _ =	vpop (xrf0)  }
0x1e1: {  	s9 =	simm.s32 $0x140;
	s8 =	simm.s32 $0x10;
	(xrf0) =	vmax.scan.msk.u32 $0xffff, v21;
	v17 =	vxor.u32 $0x80000000, v15;
	s11 =	sxor.u32 $0x80000000, s22;
	(v2sf) =	vpush v12, $0xF;
	v12 =	vmov s5  }
.LBB2_17:
0x1e2: {  	s5 =	sadd.s32 $0x3, s8  }
0x1e3: {  	v21 =	vld [tilespmem:s9+$0xFFFFFFC0];
	p0 =	slt.u32 s8, $0x1F8;
	v25 =	vxor.u32 $0x80000000, v20;
	v22 =	vshra.s32 v19, $0x1F;
	v23 =	vxor.u32 $0x80000000, v16;
	[tilespmem:v18+s29+$0x0] =	vst.idx.msk $0x1, v12;
	s7 =	smov.u32 s8;
	s8 =	sadd.s32 $0x8, s8  }
0x1e4: {  	v12 =	vmov s7;
	v18 =	vmov s5;
	v24 =	vld [tilespmem:s9+$0x30];
	v19 =	vor.u32 v22, v19;
	(xrf0) =	vmax.scan.msk.u32 $0xffff, v25;
	v20, _, _ =	vpop (xrf0)  }
0x1e5: {  	s5 =	sadd.s32 $0x4, s7;
	s10 =	sadd.s32 $0x6, s7;
	v22 =	vld [tilespmem:s9+$0x20];
	v19 =	vnsel vm0, $0xFFFFFFFF, v19;
	(xrf0) =	vmax.scan.msk.u32 $0xffff, v23;
	(v2sf) =	vpush v20, $0xF;
	v20 =	vmov s11  }
0x1e6: {  	v25 =	vmov s5;
	v28 =	vmov s10;
	v23 =	vld [tilespmem:s9+$0x0];
	v27 =	vxor.u32 $0x80000000, v19;
	[tilespmem:v13+s29+$0x0] =	vst.idx.msk $0x1, v20  }
0x1e7: {  	v13 =	vand.u32 $0xFFFFFFF8, v12;
	v25 =	vand.u32 $0xFFFFFFFC, v25;
	v12 =	vand.u32 $0xFFFFFFFE, v28;
	v20 =	vld [tilespmem:s9+$0xFFFFFFF0];
	(xrf0) =	vmax.scan.msk.u32 $0xffff, v27;
	v26, _, _ =	vpop (xrf0)  }
0x1e8: {  	vm0 =	vge.s32 v21, v0;
	vm2 =	vlt.s32 v21, v1;
	v27 =	vld [tilespmem:s9+$0xFFFFFFD0];
	[tilespmem:s3+$0xFFFFFFE0] =	vst v19;
	(v2sf) =	vpush v26, $0xF  }
0x1e9: {  	s5 =	sadd.s32 $0x7, s1;
	s1 =	smov.u32 s7;
	v26 =	vxor.u32 $0x80000000, v14;
	v19 =	vld [tilespmem:s9+$0x10];
	[tilespmem:s3+$0xFFFFFFF0] =	vst v16;
	v16 =	vbroadcast v5, $0x0;
	v5 =	vand.u32 $0xFFFFFFFB, v18  }
0x1ea: {  	v29 =	vbroadcast v7, $0x0;
	v28 =	vbroadcast v6, $0x0;
	v18 =	vld [tilespmem:s9+$0xFFFFFFE0];
	[tilespmem:s3+$0x10] =	vst v15;
	v15 =	vmov s5;
	v6, _, _ =	vpop (xrf0)  }
0x1eb: {  	vm5 =	vlt.s32 v23, v1;
	v30 =	vsub.s32 v23, v0;
	[tilespmem:s3+$0xFFFFFFD0] =	vst v14;
	(v2sf) =	vpush v6, $0xF;
	v6, _, _ =	vpop (xrf0)  }
0x1ec: {  	v7 =	vmovc v25;
	vm1 =	vge.s32 v22, v0;
	vm6 =	vlt.s32 v22, v1;
	(v2sf) =	vpush v6, $0xF;
	v6 =	vmovc v13  }
0x1ed: {  	vm1 =	vmand vm1, vm6;
	vm4 =	vge.s32 v20, v0;
	vm3 =	vge.s32 v27, v0;
	v13, _, _ =	vpop (xrf0)  }
0x1ee: {  	v22 =	vsub.s32 v22, v0;
	vm6 =	vlt.s32 v24, v1;
	v14 =	vsub.s32 v20, v0  }
0x1ef: {  	vm7 =	vge.s32 v24, v0;
	v24 =	vsub.s32 v24, v0;
	(v2sf) =	vpush v13, $0xF;
	(xrf0) =	vmax.scan.msk.u32 $0xffff, v17  }
0x1f0: {  	vm9 =	vge.s32 v23, v0;
	vm7 =	vmand vm7, vm6;
	vm8 =	vlt.s32 v27, v1;
	(xrf0) =	vmax.scan.msk.u32 $0xffff, v26  }
0x1f1: {  	vm6 =	vmand vm9, vm5;
	vm9 =	vge.s32 v19, v0;
	v13 =	vnsel vm7, $0x0, v24;
	s5 =	spop (v2sf)  }
0x1f2: {  	v23 =	vnsel vm6, $0x0, v30;
	vm10 =	vlt.s32 v19, v1;
	v17 =	vsub.s32 v27, v0;
	s5 =	sxor.u32 $0x80000000, s5  }
0x1f3: {  	v21 =	vsub.s32 v21, v0;
	vm2 =	vmand vm0, vm2;
	v22 =	vnsel vm1, $0x0, v22  }
0x1f4: {  	v21 =	vnsel vm2, $0x0, v21;
	vm0 =	vlt.s32 v20, v1;
	v19 =	vsub.s32 v19, v0;
	s7 =	spop (v2sf)  }
0x1f5: {  	vm5 =	vmand vm4, vm0;
	vm3 =	vmand vm3, vm8;
	vm4 =	vmand vm9, vm10;
	s7 =	sxor.u32 $0x80000000, s7;
	v20, _, _ =	vpop (xrf0)  }
0x1f6: {  	v14 =	vnsel vm5, $0x0, v14;
	v19 =	vnsel vm4, $0x0, v19;
	v13 =	vld.idx.msk [tilespmem:v13+s26+$0x0], $0xffff;
	v24, _, _ =	vpop (xrf0);
	(v2sf) =	vpush v20, $0xF  }
0x1f7: {  	vm0 =	vge.s32 v18, v0;
	vm8 =	vlt.s32 v18, v1;
	(v2sf) =	vpush v24, $0xF;
	s10 =	spop (v2sf)  }
0x1f8: {  	v18 =	vsub.s32 v18, v0;
	vm0 =	vmand vm0, vm8;
	v20 =	vld.idx.msk [tilespmem:v22+s26+$0x0], $0xffff;
	v22 =	vmov s7;
	s7 =	sxor.u32 $0x80000000, s10  }
0x1f9: {  	v17 =	vnsel vm3, $0x0, v17;
	v24 =	vnsel vm0, $0x0, v18;
	s10 =	sadd.s32 $0x2, s1;
	v18 =	vld.idx.msk [tilespmem:v23+s26+$0x0], $0xffff;
	[tilespmem:v29+s29+$0x0] =	vst.idx.msk $0x1, v22;
	v22 =	vmov s7  }
0x1fa: {  	v23 =	vmov s10;
	s7 =	sadd.s32 $0x5, s1;
	v21 =	vld.idx.msk [tilespmem:v21+s26+$0x0], $0xffff;
	[tilespmem:v11+s29+$0x0] =	vst.idx.msk $0x1, v22;
	v11 =	vmov s5;
	s5 =	spop (v2sf)  }
0x1fb: {  	v25 =	vbroadcast v8, $0x0;
	v8 =	vand.u32 $0xFFFFFFFA, v23;
	v22 =	vld.idx.msk [tilespmem:v19+s26+$0x0], $0xffff;
	v19 =	vmov s7;
	s5 =	sxor.u32 $0x80000000, s5;
	[tilespmem:v15+s29+$0x0] =	vst.idx.msk $0x1, v11;
	s7 =	spop (v2sf)  }
0x1fc: {  	s10 =	sadd.s32 $0x1, s1;
	v15 =	vshra.s32 v13, $0x1F;
	v14 =	vld.idx.msk [tilespmem:v14+s26+$0x0], $0xffff;
	v11 =	vand.u32 $0xFFFFFFFD, v19;
	v19 =	vmov s5;
	s5 =	sxor.u32 $0x80000000, s7  }
0x1fd: {  	v23 =	vmov s10;
	v13 =	vor.u32 v15, v13;
	[tilespmem:v28+s29+$0x0] =	vst.idx.msk $0x1, v19;
	v15 =	vmov s5  }
0x1fe: {  	s3 =	sadd.s32 $0x80, s3;
	v19 =	vand.u32 $0xFFFFFFF9, v23;
	v23 =	vshra.s32 v20, $0x1F;
	v13 =	vnsel vm7, $0xFFFFFFFF, v13;
	v17 =	vld.idx.msk [tilespmem:v17+s26+$0x0], $0xffff;
	[tilespmem:v16+s29+$0x0] =	vst.idx.msk $0x1, v15;
	s5 =	spop (v2sf)  }
0x1ff: {  	v15 =	vshra.s32 v18, $0x1F;
	v16 =	vor.u32 v23, v20;
	[tilespmem:s3+$0x30] =	vst v13;
	v13 =	vxor.u32 $0x80000000, v13;
	s5 =	sxor.u32 $0x80000000, s5  }
0x200: {  	v15 =	vor.u32 v15, v18;
	(xrf0) =	vmax.scan.msk.u32 $0xffff, v13;
	v13 =	vbroadcast v10, $0x0;
	v18 =	vmov s5;
	v10 =	vmovc v19  }
0x201: {  	v15 =	vnsel vm6, $0xFFFFFFFF, v15;
	v20 =	vshra.s32 v22, $0x1F;
	[tilespmem:v25+s29+$0x0] =	vst.idx.msk $0x1, v18;
	v18 =	vbroadcast v9, $0x0;
	v9 =	vmovc v11  }
0x202: {  	v11 =	vshra.s32 v21, $0x1F;
	v23 =	vshra.s32 v14, $0x1F;
	v19 =	vld.idx.msk [tilespmem:v24+s26+$0x0], $0xffff;
	[tilespmem:s3+$0x0] =	vst v15;
	v15 =	vxor.u32 $0x80000000, v15  }
.Ltmp13:
0x203: {  	v16 =	vnsel vm1, $0xFFFFFFFF, v16;
	v21 =	vor.u32 v11, v21;
	v11 =	vbroadcast v12, $0x0;
	(xrf0) =	vmax.scan.msk.u32 $0xffff, v15;
	(pc) =	sbr.rel @p0 .LBB2_17-.Ltmp13, $4  }
0x204: {  	v14 =	vor.u32 v23, v14;
	v23 =	vxor.u32 $0x80000000, v16;
	v24 =	vshra.s32 v17, $0x1F;
	[tilespmem:s3+$0x20] =	vst v16  }
0x205: {  	v15 =	vor.u32 v20, v22;
	v17 =	vor.u32 v24, v17;
	v16 =	vnsel vm5, $0xFFFFFFFF, v14;
	s5 =	spop (v2sf)  }
0x206: {  	v20 =	vnsel vm2, $0xFFFFFFFF, v21;
	v15 =	vnsel vm4, $0xFFFFFFFF, v15;
	v14 =	vnsel vm3, $0xFFFFFFFF, v17;
	(xrf0) =	vmax.scan.msk.u32 $0xffff, v23;
	v12, _, _ =	vpop (xrf0);
	s5 =	sxor.u32 $0x80000000, s5;
	s7 =	spop (v2sf)  }
0x207: {  	s9 =	sadd.s32 $0x80, s9;
	v17 =	vxor.u32 $0x80000000, v15;
	[tilespmem:s3+$0xFFFFFFC0] =	vst v20;
	(v2sf) =	vpush v12, $0xF;
	s11 =	sxor.u32 $0x80000000, s7;
	v12 =	vmov s5  }
0x208: {  	v21 =	vshra.s32 v19, $0x1F  }
0x209: {  	v20 =	vxor.u32 $0x80000000, v20;
	v19 =	vor.u32 v21, v19  }
0x20a: {  	v51 =	vxor.u32 $0x80000000, v16;
	(xrf0) =	vmax.scan.msk.u32 $0xffff, v20;
	v19 =	vnsel vm0, $0xFFFFFFFF, v19  }
0x20b: {  	(xrf0) =	vmax.scan.msk.u32 $0xffff, v51;
	v52 =	vxor.u32 $0x80000000, v19  }
0x20c: {  	(xrf0) =	vmax.scan.msk.u32 $0xffff, v52  }
0x20d: {  	v54 =	vxor.u32 $0x80000000, v14;
	v53, _, _ =	vpop (xrf0);
	(xrf0) =	vmax.scan.msk.u32 $0xffff, v17  }
0x20e: {  	(v2sf) =	vpush v53, $0xF;
	v55, _, _ =	vpop (xrf0);
	(xrf0) =	vmax.scan.msk.u32 $0xffff, v54  }
0x20f: {  	(v2sf) =	vpush v55, $0xF  }
0x210: {  	v56, _, _ =	vpop (xrf0)  }
0x211: {  	(v2sf) =	vpush v56, $0xF;
	v57, _, _ =	vpop (xrf0)  }
0x212: {  	(v2sf) =	vpush v57, $0xF;
	v58, _, _ =	vpop (xrf0)  }
0x213: {  	(v2sf) =	vpush v58, $0xF;
	v59, _, _ =	vpop (xrf0)  }
0x214: {  	v60, _, _ =	vpop (xrf0);
	(v2sf) =	vpush v59, $0xF  }
0x215: {  	(v2sf) =	vpush v60, $0xF;
	_ =	sdelay $0x4  }
0x216: {  	[tilespmem:v18+s29+$0x0] =	vst.idx.msk $0x1, v12;
	v7 =	vbroadcast v7, $0x0  }
0x217: {  	[tilespmem:s3+$0xFFFFFFF0] =	vst v16  }
0x218: {  	s1 =	sadd.s32 $0x7, s1;
	[tilespmem:s3+$0x10] =	vst v15;
	s5 =	spop (v2sf)  }
0x219: {  	v6 =	vbroadcast v6, $0x0;
	v62 =	vmov s11;
	[tilespmem:s3+$0xFFFFFFD0] =	vst v14;
	v61 =	vmov s1;
	s22 =	spop (v2sf)  }
0x21a: {  	v5 =	vbroadcast v5, $0x0;
	[tilespmem:v13+s29+$0x0] =	vst.idx.msk $0x1, v62;
	s1 =	sxor.u32 $0x80000000, s22;
	s7 =	spop (v2sf)  }
0x21b: {  	v8 =	vbroadcast v8, $0x0;
	[tilespmem:s3+$0xFFFFFFE0] =	vst v19;
	v63 =	vmov s1;
	s8 =	sxor.u32 $0x80000000, s7  }
0x21c: {  	v9 =	vbroadcast v9, $0x0;
	s9 =	sxor.u32 $0x80000000, s5;
	[tilespmem:v7+s29+$0x0] =	vst.idx.msk $0x1, v63;
	v7 =	vmov s8;
	s10 =	spop (v2sf)  }
0x21d: {  	v10 =	vbroadcast v10, $0x0;
	[tilespmem:v11+s29+$0x0] =	vst.idx.msk $0x1, v7;
	v7 =	vmov s9;
	s1 =	sxor.u32 $0x80000000, s10;
	s11 =	spop (v2sf)  }
0x21e: {  	[tilespmem:v61+s29+$0x0] =	vst.idx.msk $0x1, v7;
	v7 =	vmov s1;
	s12 =	sxor.u32 $0x80000000, s11;
	s13 =	spop (v2sf)  }
0x21f: {  	[tilespmem:v6+s29+$0x0] =	vst.idx.msk $0x1, v7;
	v6 =	vmov s12;
	s14 =	sxor.u32 $0x80000000, s13;
	s15 =	spop (v2sf)  }
0x220: {  	[tilespmem:v5+s29+$0x0] =	vst.idx.msk $0x1, v6;
	v5 =	vmov s14;
	s16 =	sxor.u32 $0x80000000, s15;
	s18 =	spop (v2sf)  }
0x221: {  	[tilespmem:v8+s29+$0x0] =	vst.idx.msk $0x1, v5;
	s3 =	sxor.u32 $0x80000000, s18;
	v5 =	vmov s16  }
0x222: {  	[tilespmem:v9+s29+$0x0] =	vst.idx.msk $0x1, v5;
	v5 =	vmov s3  }
0x223: {  	[tilespmem:v10+s29+$0x0] =	vst.idx.msk $0x1, v5  }
0x224: {  	_ =	swait.ge [sflag:s24], $0x4000  }
0x225: {  	[sflag:s24] =	ssyncset.done $0x0  }
0x226: {  	s1 =	simm.s32 $0x0;
	s22 =	rddreg [dreg:$0xd];
	[sflag:s24] =	ssyncadd.s32 $0xFFFFC000  }
0x227: {  	[hbm4b:s22+s1] =	stream.linear.scatter [tilespmem:s20], [sflag:$0x2], $0x4000, $0x38;
	[tilespmem:$0x1F980] =	vst v63  }
.Ltmp14:
0x228: {  	_ = 	snop;
	(pc) =	sbr.rel .LBB2_19-.Ltmp14, $4  }
0x229: {  	_ =	swait.ge [sflag:s25], $0x4000  }
0x22a: {  	[sflag:s25] =	ssyncset.done $0x0  }
0x22b: {  	v6 =	vimm.s32 $0x0;
	[sflag:s25] =	ssyncadd.s32 $0xFFFFC000  }
0x22c: {  	s3 =	simm.s32 $0x0;
	[tilespmem:$0x17900] =	vst v6  }
.LBB2_22:
0x22d: {  	v5, _, _ =	vpop (xrf0)  }
0x22e: {  	(v2sf) =	vpush v5, $0xF;
	_ =	sdelay $0x7  }
0x22f: {  	s5 =	spop (v2sf)  }
0x230: {  	s5 =	sshrl.u32 s5, $0x1F;
	s7 =	spop (v2sf)  }
0x231: {  	s5 =	sadd.s32 s13, s5;
	s7 =	sshrl.u32 s7, $0x1F;
	s10 =	spop (v2sf)  }
0x232: {  	v5 =	vmov s5;
	s5 =	sadd.s32 s5, s7;
	s13 =	sshrl.u32 s10, $0x1F  }
0x233: {  	v7 =	vmov s5;
	s5 =	sadd.s32 s5, s13  }
0x234: {  	s14 =	sadd.s32 s11, s1;
	v8 =	vmov s5  }
0x235: {  	s15 =	sadd.s32 s8, s1;
	v9 =	vmov s14  }
0x236: {  	s16 =	sadd.s32 s9, s1;
	[tilespmem:v6+s30+$0x0] =	vst.idx.msk $0x1, v9;
	v6 =	vmov s15;
	s18 =	spop (v2sf)  }
0x237: {  	s22 =	sadd.s32 s12, s1;
	[tilespmem:v5+s30+$0x0] =	vst.idx.msk $0x1, v6;
	v5 =	vmov s16;
	s8 =	sshrl.u32 s18, $0x1F  }
0x238: {  	[tilespmem:v7+s30+$0x0] =	vst.idx.msk $0x1, v5;
	v5 =	vmov s22;
	s5 =	sadd.s32 s5, s8  }
0x239: {  	[tilespmem:v8+s30+$0x0] =	vst.idx.msk $0x1, v5;
	v6 =	vmov s5  }
0x23a: {  	[tilespmem:$0x17900] =	vst v6  }
.LBB2_23:
0x23b: {  	s3 =	sadd.s32 $0x1, s3  }
0x23c: {  	p0 =	sne.s32 s3, $0x20  }
.Ltmp15:
0x23d: {  	_ = 	snop;
	(pc) =	sbr.rel @!p0 .LBB2_24-.Ltmp15, $2  }
0x23e: {  	_ =	sdelay $0x2  }
0x23f: {  	s1 =	sadd.s32 $0x10, s1  }
.LBB2_19:
0x240: {  	s5 =	sshll.u32 s3, $0x4  }
0x241: {  	v5 =	vld [tilespmem:s5+$0x17500];
	_ =	sdelay $0x4  }
0x242: {  	v5 =	vxor.u32 $0x80000000, v5  }
0x243: {  	(xrf0) =	vmax.scan.msk.u32 $0xffff, v5;
	_ =	sdelay $0x5  }
0x244: {  	v7, _, _ =	vpop (xrf0)  }
0x245: {  	(v2sf) =	vpush v7, $0xF;
	_ =	sdelay $0xe  }
0x246: {  	s22 =	spop (v2sf)  }
0x247: {  	p0 =	sgt.s32 s22, $0xFFFFFFFF  }
.Ltmp16:
0x248: {  	_ = 	snop;
	(pc) =	sbr.rel @p0 .LBB2_23-.Ltmp16, $1  }
0x249: {  	_ =	sdelay $0x3  }
0x24a: {  	v6 =	vxor.u32 $0x80000000, v6  }
0x24b: {  	(xrf0) =	vmax.scan.msk.u32 $0xffff, v6;
	_ =	sdelay $0x5  }
0x24c: {  	v6, _, _ =	vpop (xrf0)  }
0x24d: {  	(v2sf) =	vpush v6, $0xF;
	_ =	sdelay $0x3  }
0x24e: {  	s11 =	simm.s32 $0x0  }
0x24f: {  	v6 =	vmov s11  }
0x250: {  	vm0 =	veq.s32 v6, v3  }
0x251: {  	s8 =	simm.s32 $0x1;
	v7 =	vnsel vm0, $0x7FFFFFFF, v5  }
0x252: {  	s9 =	simm.s32 $0x2;
	v6 =	vmov s8;
	(xrf0) =	vmax.scan.msk.u32 $0xffff, v7  }
0x253: {  	vm13 =	veq.s32 v6, v3;
	v6 =	vmov s9  }
0x254: {  	vm14 =	veq.s32 v6, v3  }
0x255: {  	v6 =	vnsel vm14, $0x7FFFFFFF, v5  }
0x256: {  	v7 =	vnsel vm13, $0x7FFFFFFF, v5  }
0x257: {  	(xrf0) =	vmax.scan.msk.u32 $0xffff, v7  }
0x258: {  	(xrf0) =	vmax.scan.msk.u32 $0xffff, v6;
	v6, _, _ =	vpop (xrf0)  }
0x259: {  	s5 =	spop (v2sf);
	(v2sf) =	vpush v6, $0xF;
	_ =	sdelay $0x2  }
0x25a: {  	s12 =	simm.s32 $0x3  }
0x25b: {  	v7 =	vmov s12;
	_ =	sdelay $0x1  }
0x25c: {  	v6, _, _ =	vpop (xrf0)  }
0x25d: {  	vm15 =	veq.s32 v7, v3;
	(v2sf) =	vpush v6, $0xF;
	v7, _, _ =	vpop (xrf0)  }
0x25e: {  	(v2sf) =	vpush v7, $0xF;
	_ =	sdelay $0x1  }
0x25f: {  	v6 =	vnsel vm15, $0x7FFFFFFF, v5  }
0x260: {  	s13 =	sxor.u32 $0x80000000, s5;
	(xrf0) =	vmax.scan.msk.u32 $0xffff, v6  }
0x261: {  	s14 =	simm.s32 $0x4;
	v6 =	vmov s13  }
.LBB2_21:
0x262: {  	p0 =	sne.s32 s14, $0xF  }
.Ltmp17:
0x263: {  	v7 =	vmov s14;
	s5 =	smov.u32 s14;
	s14 =	sadd.s32 $0x1, s14;
	(pc) =	sbr.rel @p0 .LBB2_21-.Ltmp17, $4  }
0x264: {  	s7 =	sadd.s32 s11, s1;
	vm0 =	veq.s32 v7, v3;
	s10 =	spop (v2sf)  }
0x265: {  	s11 =	smov.u32 s8;
	s8 =	smov.u32 s9;
	v8 =	vmov s7;
	v9 =	vnsel vm0, $0x7FFFFFFF, v5;
	s7 =	sshrl.u32 s10, $0x1F  }
0x266: {  	s9 =	smov.u32 s12;
	s12 =	smov.u32 s5;
	(xrf0) =	vmax.scan.msk.u32 $0xffff, v9;
	v7, _, _ =	vpop (xrf0);
	[tilespmem:v6+s30+$0x0] =	vst.idx.msk $0x1, v8;
	s13 =	sadd.s32 s13, s7  }
0x267: {  	(v2sf) =	vpush v7, $0xF;
	v6 =	vmov s13  }
.Ltmp18:
0x268: {  	_ = 	snop;
	(pc) =	sbr.rel .LBB2_22-.Ltmp18, $1  }
0x269: {  	_ =	sdelay $0x3  }
.LBB2_24:
0x26a: {  	_ =	swait.ge [sflag:s24], $0x4000  }
0x26b: {  	[sflag:s24] =	ssyncset.done $0x0  }
0x26c: {  	s1 =	simm.s32 $0x0;
	s3 =	rddreg [dreg:$0xe];
	[sflag:s24] =	ssyncadd.s32 $0xFFFFC000  }
0x26d: {  	[hbm4b:s3+s1] =	stream.linear.scatter [tilespmem:s21], [sflag:$0x2], $0x4000, $0x38;
	[tilespmem:$0x1F980] =	vst v63  }
0x26e: {  	_ =	swait.ge [sflag:s25], $0x4000  }
0x26f: {  	[sflag:s25] =	ssyncset.done $0x0  }
0x270: {  	[sflag:s25] =	ssyncadd.s32 $0xFFFFC000  }
0x271: {  	[bflag:$0x0] =	sbarrier.arrive $0xFFFF  }
0x272: {  	v5 =	vld [tilespmem:$0x17900];
	_ =	sdelay $0x4  }
0x273: {  	v5 =	vxor.u32 $0x80000000, v5  }
0x274: {  	(xrf0) =	vmax.scan.msk.u32 $0xffff, v5;
	_ =	sdelay $0x5  }
0x275: {  	v5, _, _ =	vpop (xrf0)  }
0x276: {  	(v2sf) =	vpush v5, $0xF;
	_ =	sdelay $0xe  }
0x277: {  	s22 =	spop (v2sf)  }
0x278: {  	s3 =	sxor.u32 $0x80000000, s22  }
0x279: {  	p0 =	slt.s32 s3, $0x1  }
.Ltmp19:
0x27a: {  	_ = 	snop;
	(pc) =	sbr.rel @p0 .LBB2_28-.Ltmp19, $2  }
0x27b: {  	_ =	sdelay $0x2  }
0x27c: {  	s8 =	simm.s32 $0x0  }
.LBB2_25:
0x27d: {  	v5 =	vmov s8;
	_ =	sdelay $0x4  }
0x27e: {  	v5 =	vld.idx.msk [tilespmem:v5+s30+$0x0], $0xffff;
	_ =	sdelay $0x4  }
0x27f: {  	v5 =	vxor.u32 $0x80000000, v5  }
0x280: {  	(xrf0) =	vmax.scan.msk.u32 $0xffff, v5;
	_ =	sdelay $0x5  }
0x281: {  	v5, _, _ =	vpop (xrf0)  }
0x282: {  	(v2sf) =	vpush v5, $0xF;
	_ =	sdelay $0xe  }
0x283: {  	s5 =	spop (v2sf)  }
0x284: {  	s7 =	sshll.u32 s5, $0x4  }
0x285: {  	v5 =	vld [tilespmem:s7+$0x15500];
	_ =	sdelay $0x3  }
0x286: {  	v6 =	vmov s1  }
0x287: {  	vm0 =	veq.s32 v6, v3;
	v5 =	vxor.u32 $0x80000000, v5  }
0x288: {  	v6 =	vnsel vm0, $0x7FFFFFFF, v5  }
0x289: {  	(xrf0) =	vmax.scan.msk.u32 $0xffff, v6;
	_ =	sdelay $0x5  }
0x28a: {  	v6, _, _ =	vpop (xrf0)  }
0x28b: {  	(v2sf) =	vpush v6, $0xF;
	_ =	sdelay $0x3  }
0x28c: {  	s16 =	simm.s32 $0x1  }
0x28d: {  	v6 =	vmov s16  }
0x28e: {  	vm13 =	veq.s32 v6, v3  }
0x28f: {  	v7 =	vnsel vm13, $0x7FFFFFFF, v5  }
0x290: {  	(xrf0) =	vmax.scan.msk.u32 $0xffff, v7;
	_ =	sdelay $0x2  }
0x291: {  	s18 =	simm.s32 $0x2  }
0x292: {  	v6 =	vmov s18  }
0x293: {  	vm14 =	veq.s32 v6, v3  }
0x294: {  	v6 =	vnsel vm14, $0x7FFFFFFF, v5;
	v7, _, _ =	vpop (xrf0)  }
0x295: {  	(xrf0) =	vmax.scan.msk.u32 $0xffff, v6;
	s7 =	spop (v2sf);
	(v2sf) =	vpush v7, $0xF;
	_ =	sdelay $0x1  }
0x296: {  	s22 =	simm.s32 $0x3  }
0x297: {  	v6 =	vmov s22;
	_ =	sdelay $0x2  }
0x298: {  	s5 =	sshll.u32 s5, $0xB;
	vm15 =	veq.s32 v6, v3;
	v6, _, _ =	vpop (xrf0)  }
0x299: {  	s9 =	sadd.s32 s5, s17;
	p0 =	sgt.s32 s7, $0xFFFFFFFF;
	(v2sf) =	vpush v6, $0xF  }
0x29a: {  	s11 =	simm.s32 $0x4;
	v7 =	vnsel vm15, $0x7FFFFFFF, v5;
	s10 =	sadd.s32 @!p0 $0x0, s9  }
0x29b: {  	(xrf0) =	vmax.scan.msk.u32 $0xffff, v7;
	s5 =	sshll.u32 @!p0 s7, $0x4;
	s7 =	sand.u32 @!p0 $0xFFFFFC00, s10;
	s10 =	sand.u32 @!p0 $0x380, s1  }
0x29c: {  	s12 =	simm.s32 $0x0;
	s5 =	sand.u32 @!p0 $0x1FFFFFF0, s5;
	s7 =	sor.u32 @!p0 s10, s7  }
0x29d: {  	s10 =	sshll.u32 @!p0 s6, $0x6;
	s14 =	sadd.s32 @!p0 s2, s5;
	s5 =	sshrl.u32 @!p0 s7, $0x3  }
0x29e: {  	s13 =	simm.s32 @!p0 $0x4;
	s15 =	sor.u32 @!p0 $0x1C04, s10;
	s22 =	sadd.s32 @!p0 s4, s5  }
.LBB2_26:
0x29f: {  	[hbm:s22], [sflag:s15] =	dma.local @!p0 [hbm:s14], $0x10  }
0x2a0: {  	v7 =	vmov s11;
	s5 =	smov.u32 s13;
	p1 =	por p0, p0  }
0x2a1: {  	v6, _, _ =	vpop (xrf0);
	s7 =	spop (v2sf)  }
0x2a2: {  	s11 =	sadd.s32 $0x1, s11;
	s12 =	sadd.s32 $0x80, s12;
	vm0 =	veq.s32 v7, v3;
	_ =	swait.ge @!p1 [sflag:s5], $0x10  }
0x2a3: {  	p2 =	sne.s32 s11, $0x10;
	v7 =	vnsel vm0, $0x7FFFFFFF, v5;
	p0 =	sgt.s32 s7, $0xFFFFFFFF;
	(v2sf) =	vpush v6, $0xF;
	[sflag:s5] =	ssyncset.done @!p1 $0x0  }
.Ltmp20:
0x2a4: {  	s10 =	sadd.s32 @!p0 s12, s9;
	s7 =	sshll.u32 @!p0 s7, $0x4;
	(xrf0) =	vmax.scan.msk.u32 $0xffff, v7;
	(pc) =	sbr.rel @p2 .LBB2_26-.Ltmp20, $4  }
0x2a5: {  	s13 =	sand.u32 @!p0 $0x380, s12;
	s10 =	sand.u32 @!p0 $0xFFFFFC00, s10;
	s7 =	sand.u32 @!p0 $0x1FFFFFF0, s7  }
0x2a6: {  	s10 =	sor.u32 @!p0 s13, s10;
	s14 =	sadd.s32 @!p0 s2, s7;
	s7 =	sshll.u32 @!p0 s6, $0x6  }
0x2a7: {  	s13 =	simm.s32 @!p0 $0x4;
	s10 =	sshrl.u32 @!p0 s10, $0x3;
	s15 =	sor.u32 @!p0 $0x1C04, s7  }
0x2a8: {  	s22 =	sadd.s32 @!p0 s4, s10;
	[sflag:s5] =	ssyncadd.s32 @!p1 $0xFFFFFFF0  }
0x2a9: {  	[hbm:s22], [sflag:s15] =	dma.local @!p0 [hbm:s14], $0x10  }
0x2aa: {  	p0 =	por p0, p0;
	v5, _, _ =	vpop (xrf0);
	s5 =	spop (v2sf)  }
0x2ab: {  	_ =	swait.ge @!p0 [sflag:s13], $0x10  }
0x2ac: {  	s7 =	sadd.s32 $0x80, s12;
	p1 =	sgt.s32 s5, $0xFFFFFFFF;
	(v2sf) =	vpush v5, $0xF  }
0x2ad: {  	s10 =	sadd.s32 @!p1 s7, s9  }
0x2ae: {  	s5 =	sshll.u32 @!p1 s5, $0x4;
	s11 =	sand.u32 @!p1 $0x380, s7;
	s10 =	sand.u32 @!p1 $0xFFFFFC00, s10  }
0x2af: {  	[sflag:s13] =	ssyncset.done @!p0 $0x0;
	s5 =	sand.u32 @!p1 $0x1FFFFFF0, s5;
	s10 =	sor.u32 @!p1 s11, s10  }
0x2b0: {  	[sflag:s13] =	ssyncadd.s32 @!p0 $0xFFFFFFF0;
	s11 =	sshll.u32 @!p1 s6, $0x6;
	s10 =	sshrl.u32 @!p1 s10, $0x3  }
0x2b1: {  	s5 =	sadd.s32 @!p1 s2, s5;
	s11 =	sor.u32 @!p1 $0x1C04, s11;
	s10 =	sadd.s32 @!p1 s4, s10  }
0x2b2: {  	[hbm:s10], [sflag:s11] =	dma.local @!p1 [hbm:s5], $0x10  }
0x2b3: {  	s7 =	sadd.s32 $0x80, s7;
	s10 =	spop (v2sf)  }
0x2b4: {  	s5 =	simm.s32 @!p1 $0x4;
	p1 =	por p1, p1;
	p0 =	sgt.s32 s10, $0xFFFFFFFF  }
0x2b5: {  	_ =	swait.ge @!p1 [sflag:s5], $0x10;
	s11 =	sadd.s32 @!p0 s7, s9  }
0x2b6: {  	s10 =	sshll.u32 @!p0 s10, $0x4;
	s12 =	sand.u32 @!p0 $0x380, s7;
	s11 =	sand.u32 @!p0 $0xFFFFFC00, s11  }
0x2b7: {  	[sflag:s5] =	ssyncset.done @!p1 $0x0;
	s10 =	sand.u32 @!p0 $0x1FFFFFF0, s10;
	s11 =	sor.u32 @!p0 s12, s11  }
0x2b8: {  	[sflag:s5] =	ssyncadd.s32 @!p1 $0xFFFFFFF0;
	s12 =	sshll.u32 @!p0 s6, $0x6;
	s11 =	sshrl.u32 @!p0 s11, $0x3  }
0x2b9: {  	s10 =	sadd.s32 @!p0 s2, s10;
	s12 =	sor.u32 @!p0 $0x1C04, s12;
	s11 =	sadd.s32 @!p0 s4, s11  }
0x2ba: {  	[hbm:s11], [sflag:s12] =	dma.local @!p0 [hbm:s10], $0x10  }
0x2bb: {  	s8 =	sadd.s32 $0x1, s8;
	s7 =	sadd.s32 $0x80, s7;
	s10 =	spop (v2sf)  }
0x2bc: {  	s5 =	simm.s32 @!p0 $0x4;
	p1 =	por p0, p0;
	p0 =	sgt.s32 s10, $0xFFFFFFFF  }
0x2bd: {  	_ =	swait.ge @!p1 [sflag:s5], $0x10;
	s9 =	sadd.s32 @!p0 s7, s9;
	s10 =	sshll.u32 @!p0 s10, $0x4  }
0x2be: {  	s7 =	sand.u32 @!p0 $0x380, s7;
	[sflag:s5] =	ssyncset.done @!p1 $0x0;
	s9 =	sand.u32 @!p0 $0xFFFFFC00, s9  }
0x2bf: {  	s10 =	sand.u32 @!p0 $0x1FFFFFF0, s10;
	[sflag:s5] =	ssyncadd.s32 @!p1 $0xFFFFFFF0;
	s7 =	sor.u32 @!p0 s7, s9  }
0x2c0: {  	s9 =	sadd.s32 @!p0 s2, s10;
	s10 =	sshll.u32 @!p0 s6, $0x6;
	s7 =	sshrl.u32 @!p0 s7, $0x3  }
0x2c1: {  	p1 =	sne.s32 s8, s3;
	s10 =	sor.u32 @!p0 $0x1C04, s10;
	s7 =	sadd.s32 @!p0 s4, s7  }
0x2c2: {  	[hbm:s7], [sflag:s10] =	dma.local @!p0 [hbm:s9], $0x10  }
.Ltmp21:
0x2c3: {  	_ = 	snop;
	(pc) =	sbr.rel @p1 .LBB2_25-.Ltmp21, $4  }
.Ltmp22:
0x2c4: {  	s5 =	simm.s32 @!p0 $0x4;
	p0 =	por p0, p0;
	(pc) =	sbr.rel @!p1 .LBB2_28-.Ltmp22, $4  }
0x2c5: {  	_ =	swait.ge @!p0 [sflag:s5], $0x10  }
0x2c6: {  	[sflag:s5] =	ssyncset.done @!p0 $0x0  }
0x2c7: {  	[sflag:s5] =	ssyncadd.s32 @!p0 $0xFFFFFFF0  }
0x2c8: {  	_ = 	snop  }
.LBB2_29:
0x2c9: {  	_ =	sfence.sel $0x180000  }
0x2ca: {  	[bflag:$0x0] =	sbarrier.arrive $0xFFFF  }
0x2cb: {  	_ =	strace $0x90000047  }
0x2cc: {  	[bflag:$0x2] =	sbarrier.arrive $0xFFFF  }
0x2cd: {  	p0 =	sne.s32 s6, $0x0;
	s0 =	rddreg [dreg:$0x5]  }
0x2ce: {  	s0 =	sadd.s32 @!p0 $0x100000, s0  }
0x2cf: {  	[sflag:s0] =	ssyncadd.tile.s32 @!p0 $0x1;
	_ =	shalt  }
.Lfunc_end2:
_tile_overlayer_lowered:
.L_overlay_start_2:
0x2d0: {  	(tag) =	ssettag $0x2  }
0x2d1: {  	s0 =	rddreg [dreg:$0x0];
	s2 =	stileid.u32  }
0x2d2: {  	s1 =	rddreg [dreg:$0x1];
	p0 =	sne.s32 s2, $0x0  }
0x2d3: {  	s3 =	rddreg [dreg:$0x2];
	[bflag:$0x3] =	sbarrier.arrive $0xFFFF;
	s2 =	simm.s32 @!p0 $0x1C04  }
0x2d4: {  	[timem:s3], [sflag:s2] =	dma.local @!p0 [hbm:s0], s1  }
0x2d5: {  	s0 =	simm.s32 @!p0 $0x4  }
0x2d6: {  	_ =	swait.ge @!p0 [sflag:s0], s1  }
0x2d7: {  	s1 =	ssub.s32 @!p0 $0x0, s1;
	[sflag:s0] =	ssyncset.done @!p0 $0x0  }
0x2d8: {  	[sflag:s0] =	ssyncadd.s32 @!p0 s1  }
0x2d9: {  	[bflag:$0x3] =	sbarrier.arrive $0xFFFF  }
0x2da: {  	_ =	shalt  }

</sc_bundles>
